<compile_context>
chip_gen: v7x
topology: tpu7x:2x2x1
jax: 0.10.2.dev20260603
libtpu: 0.0.44.dev20260713+nightly
codegen_flags: <defaults>
</compile_context>

<pallas_src>
import functools

import jax
import jax.numpy as jnp
from jax import lax
from jax.experimental import pallas as pl
from jax.experimental.pallas import tpu as pltpu
from jax.experimental.pallas import tpu_sc as plsc

VOCAB = 100000
EMBED_DIM = 64
BATCH = 16384
HIST = 50

NUM_CORES = 2
NUM_SUBCORES = 16
NUM_TILES = NUM_CORES * NUM_SUBCORES
LANES = 16
VPR = EMBED_DIM // LANES

BAGS_PER_TILE = BATCH // NUM_TILES
CHUNK_BAGS = 16
IDX_PER_CHUNK = CHUNK_BAGS * HIST
N_CHUNKS = BAGS_PER_TILE // CHUNK_BAGS
GATHER_SPLIT = 10
IDX_PER_GATHER = IDX_PER_CHUNK // GATHER_SPLIT


def _sc_body(ids_hbm, table_hbm, out_hbm,
             idx0, idx1, rows0, rows1, out0, out1,
             gsem0, gsem1, osem0, osem1):
    wid = lax.axis_index("s") * NUM_CORES + lax.axis_index("c")
    base_bag = wid * BAGS_PER_TILE
    idxs = (idx0, idx1)
    rows = (rows0, rows1)
    outs = (out0, out1)
    gsems = (gsem0, gsem1)
    osems = (osem0, osem1)

    def fire(ci, b):
        bag_lo = base_bag + ci * CHUNK_BAGS
        pltpu.sync_copy(ids_hbm.at[pl.ds(bag_lo * HIST, IDX_PER_CHUNK)], idxs[b])
        for g in range(GATHER_SPLIT):
            sl = pl.ds(g * IDX_PER_GATHER, IDX_PER_GATHER)
            pltpu.async_copy(table_hbm.at[idxs[b].at[sl]], rows[b].at[sl],
                             gsems[b])

    def drain_gather(b):
        pltpu.make_async_copy(table_hbm.at[pl.ds(0, IDX_PER_CHUNK)], rows[b],
                              gsems[b]).wait()

    def drain_out(b):
        pltpu.make_async_copy(outs[b], out_hbm.at[pl.ds(0, CHUNK_BAGS)],
                              osems[b]).wait()

    fire(0, 0)
    fire(1, 1)

    def outer(i, carry):
        for b in range(2):
            ci = 2 * i + b
            drain_gather(b)

            @pl.when(ci >= 2)
            def _():
                drain_out(b)

            def bag_body(r, carry2):
                def red_body(k, acc):
                    row = r * HIST + k
                    return tuple(
                        acc[j] + rows[b][row, pl.ds(j * LANES, LANES)]
                        for j in range(VPR))

                zero = jnp.zeros((LANES,), jnp.float32)
                acc = lax.fori_loop(0, HIST, red_body, (zero,) * VPR,
                                    unroll=10)
                for j in range(VPR):
                    outs[b][r, pl.ds(j * LANES, LANES)] = acc[j]
                return carry2

            lax.fori_loop(0, CHUNK_BAGS, bag_body, 0)
            pltpu.async_copy(
                outs[b],
                out_hbm.at[pl.ds(base_bag + ci * CHUNK_BAGS, CHUNK_BAGS)],
                osems[b])

            @pl.when(ci + 2 < N_CHUNKS)
            def _():
                fire(ci + 2, b)
        return carry

    lax.fori_loop(0, N_CHUNKS // 2, outer, 0)
    for b in range(2):
        drain_out(b)


@jax.jit
def kernel(ingredient_ids, embedding_table):
    ids_flat = ingredient_ids.reshape(-1)
    mesh = plsc.VectorSubcoreMesh(core_axis_name="c", subcore_axis_name="s")
    f = pl.kernel(
        _sc_body,
        mesh=mesh,
        out_type=jax.ShapeDtypeStruct((BATCH, EMBED_DIM), jnp.float32),
        scratch_types=[
            pltpu.VMEM((IDX_PER_CHUNK,), jnp.int32),
            pltpu.VMEM((IDX_PER_CHUNK,), jnp.int32),
            pltpu.VMEM((IDX_PER_CHUNK, EMBED_DIM), jnp.float32),
            pltpu.VMEM((IDX_PER_CHUNK, EMBED_DIM), jnp.float32),
            pltpu.VMEM((CHUNK_BAGS, EMBED_DIM), jnp.float32),
            pltpu.VMEM((CHUNK_BAGS, EMBED_DIM), jnp.float32),
            pltpu.SemaphoreType.DMA,
            pltpu.SemaphoreType.DMA,
            pltpu.SemaphoreType.DMA,
            pltpu.SemaphoreType.DMA,
        ],
        compiler_params=pltpu.CompilerParams(use_tc_tiling_on_sc=False),
    )
    return f(ids_flat, embedding_table)

# --- scband reference (transcript-rebuilt; emitter-appended) ---
"""Pipeline reference for scband-ingredient-encoder-18056042512792 (READ-ONLY COPY).

The authoritative reference and input builder live on the scoring server;
editing this copy changes nothing except your own understanding.
"""

import jax, jax.numpy as jnp
import numpy as np

VOCAB = 100000
EMBED_DIM = 64
BATCH = 16384
HIST = 50

def setup_inputs(seed: int = 0) -> dict:
    key = jax.random.key(seed)
    k_ids, k_tab = jax.random.split(key)
    ingredient_ids = jax.random.randint(k_ids, (BATCH, HIST), 0, VOCAB, dtype=jnp.int64 if jax.config.jax_enable_x64 else jnp.int32)
    embedding_table = jax.random.normal(k_tab, (VOCAB, EMBED_DIM), dtype=jnp.float32)
    return {"ingredient_ids": ingredient_ids, "embedding_table": embedding_table}

def reference(ingredient_ids, embedding_table):
    # gather rows from the embedding table, then sum over the bag (hist) dimension
    ingredient_embeds = jnp.take(embedding_table, ingredient_ids, axis=0)  # [B, L, D]
    return jnp.sum(ingredient_embeds, axis=1)  # [B, D]

if __name__ == "__main__":
    import jax
    _d = setup_inputs()
    print(jax.jit(kernel)(*tuple(_d.values())))

</pallas_src>

<mosaic_0001>
#map = affine_map<(d0, d1) -> (0)>
#map1 = affine_map<(d0, d1) -> (0, 0)>
module attributes {stable_mosaic.version = 14 : i64} {
  func.func @_sc_body(%arg0: i32, %arg1: i32, %arg2: memref<819200xi32, #tpu.memory_space<hbm>>, %arg3: memref<100000x64xf32, #tpu.memory_space<hbm>>, %arg4: memref<16384x64xf32, #tpu.memory_space<hbm>>, %arg5: memref<800xi32, #tpu.memory_space<vmem>>, %arg6: memref<800xi32, #tpu.memory_space<vmem>>, %arg7: memref<800x64xf32, #tpu.memory_space<vmem>>, %arg8: memref<800x64xf32, #tpu.memory_space<vmem>>, %arg9: memref<16x64xf32, #tpu.memory_space<vmem>>, %arg10: memref<16x64xf32, #tpu.memory_space<vmem>>, %arg11: memref<!tpu.dma_semaphore, #tpu.memory_space<semaphore_mem>>, %arg12: memref<!tpu.dma_semaphore, #tpu.memory_space<semaphore_mem>>, %arg13: memref<!tpu.dma_semaphore, #tpu.memory_space<semaphore_mem>>, %arg14: memref<!tpu.dma_semaphore, #tpu.memory_space<semaphore_mem>>) attributes {dimension_semantics = [#tpu.dimension_semantics<core_parallel>, #tpu.dimension_semantics<subcore_parallel>], iteration_bounds = array<i64: 2, 16>, scalar_prefetch = 0 : i64, scratch_operands = 10 : i64, tpu.core_type = #tpu.core_type<sc_vector_subcore>, window_params = [{transform_indices = #map}, {transform_indices = #map1}, {transform_indices = #map1}]} {
    %mul3A = arith.constant 2 : i32
    %mul3A_0 = arith.muli %arg1, %mul3A : i32
    %add3A = arith.addi %mul3A_0, %arg0 : i32
    %mul3A_1 = arith.constant 512 : i32
    %mul3A_2 = arith.muli %add3A, %mul3A_1 : i32
    %add3A_3 = arith.constant 0 : i32
    %add3A_4 = arith.addi %mul3A_2, %add3A_3 : i32
    %mul3A_5 = arith.constant 50 : i32
    %mul3A_6 = arith.muli %add3A_4, %mul3A_5 : i32
    "tpu.region"() ({
      %run_scoped3A = tpu.sem_alloc : memref<!tpu.dma_semaphore, #tpu.memory_space<semaphore_mem>>
      %dma_start3A_186 = tpu.memref_slice %arg2[%mul3A_6] : memref<819200xi32, #tpu.memory_space<hbm>> -> memref<800xi32, #tpu.memory_space<hbm>>
      %dma_start3A_187 = tpu.memref_slice %arg2[%mul3A_6] : memref<819200xi32, #tpu.memory_space<hbm>> -> memref<800xi32, #tpu.memory_space<hbm>>
      tpu.enqueue_dma source(%dma_start3A_187 : memref<800xi32, #tpu.memory_space<hbm>>) target(%arg5 : memref<800xi32, #tpu.memory_space<vmem>>) target_semaphore(%run_scoped3A : memref<!tpu.dma_semaphore, #tpu.memory_space<semaphore_mem>>)
      %dma_wait3A_188 = tpu.memref_slice %arg2[%mul3A_6] : memref<819200xi32, #tpu.memory_space<hbm>> -> memref<800xi32, #tpu.memory_space<hbm>>
      %dma_wait3A_189 = tpu.memref_slice %arg2[%mul3A_6] : memref<819200xi32, #tpu.memory_space<hbm>> -> memref<800xi32, #tpu.memory_space<hbm>>
      tpu.wait_dma2 semaphore(%run_scoped3A : memref<!tpu.dma_semaphore, #tpu.memory_space<semaphore_mem>>) src(%dma_wait3A_189 : memref<800xi32, #tpu.memory_space<hbm>>) dst(%arg5 : memref<800xi32, #tpu.memory_space<vmem>>)
      tpu.yield
    }) : () -> ()
    %dma_start3A = arith.constant 0 : i32
    %dma_start3A_7 = arith.constant 0 : i32
    %dma_start3A_8 = tpu.memref_slice %arg7[%dma_start3A, %dma_start3A_7] : memref<800x64xf32, #tpu.memory_space<vmem>> -> memref<80x64xf32, #tpu.memory_space<vmem>>
    %dma_start3A_9 = arith.constant 0 : i32
    %dma_start3A_10 = tpu.memref_slice %arg5[%dma_start3A_9] : memref<800xi32, #tpu.memory_space<vmem>> -> memref<80xi32, #tpu.memory_space<vmem>>
    %dma_start3A_11 = arith.constant 0 : i32
    %dma_start3A_12 = arith.constant 0 : i32
    %dma_start3A_13 = tpu.memref_slice %arg3[%dma_start3A_11, %dma_start3A_12] : memref<100000x64xf32, #tpu.memory_space<hbm>> -> memref<100000x64xf32, #tpu.memory_space<hbm>>
    tpu.enqueue_indirect_dma source(%dma_start3A_13 : memref<100000x64xf32, #tpu.memory_space<hbm>>) target(%dma_start3A_8 : memref<80x64xf32, #tpu.memory_space<vmem>>) offsets(%dma_start3A_10 : memref<80xi32, #tpu.memory_space<vmem>>) semaphore(%arg11 : memref<!tpu.dma_semaphore, #tpu.memory_space<semaphore_mem>>)
    %dma_start3A_14 = arith.constant 80 : i32
    %dma_start3A_15 = arith.constant 0 : i32
    %dma_start3A_16 = tpu.memref_slice %arg7[%dma_start3A_14, %dma_start3A_15] : memref<800x64xf32, #tpu.memory_space<vmem>> -> memref<80x64xf32, #tpu.memory_space<vmem>>
    %dma_start3A_17 = arith.constant 80 : i32
    %dma_start3A_18 = tpu.memref_slice %arg5[%dma_start3A_17] : memref<800xi32, #tpu.memory_space<vmem>> -> memref<80xi32, #tpu.memory_space<vmem>>
    %dma_start3A_19 = arith.constant 0 : i32
    %dma_start3A_20 = arith.constant 0 : i32
    %dma_start3A_21 = tpu.memref_slice %arg3[%dma_start3A_19, %dma_start3A_20] : memref<100000x64xf32, #tpu.memory_space<hbm>> -> memref<100000x64xf32, #tpu.memory_space<hbm>>
    tpu.enqueue_indirect_dma source(%dma_start3A_21 : memref<100000x64xf32, #tpu.memory_space<hbm>>) target(%dma_start3A_16 : memref<80x64xf32, #tpu.memory_space<vmem>>) offsets(%dma_start3A_18 : memref<80xi32, #tpu.memory_space<vmem>>) semaphore(%arg11 : memref<!tpu.dma_semaphore, #tpu.memory_space<semaphore_mem>>)
    %dma_start3A_22 = arith.constant 160 : i32
    %dma_start3A_23 = arith.constant 0 : i32
    %dma_start3A_24 = tpu.memref_slice %arg7[%dma_start3A_22, %dma_start3A_23] : memref<800x64xf32, #tpu.memory_space<vmem>> -> memref<80x64xf32, #tpu.memory_space<vmem>>
    %dma_start3A_25 = arith.constant 160 : i32
    %dma_start3A_26 = tpu.memref_slice %arg5[%dma_start3A_25] : memref<800xi32, #tpu.memory_space<vmem>> -> memref<80xi32, #tpu.memory_space<vmem>>
    %dma_start3A_27 = arith.constant 0 : i32
    %dma_start3A_28 = arith.constant 0 : i32
    %dma_start3A_29 = tpu.memref_slice %arg3[%dma_start3A_27, %dma_start3A_28] : memref<100000x64xf32, #tpu.memory_space<hbm>> -> memref<100000x64xf32, #tpu.memory_space<hbm>>
    tpu.enqueue_indirect_dma source(%dma_start3A_29 : memref<100000x64xf32, #tpu.memory_space<hbm>>) target(%dma_start3A_24 : memref<80x64xf32, #tpu.memory_space<vmem>>) offsets(%dma_start3A_26 : memref<80xi32, #tpu.memory_space<vmem>>) semaphore(%arg11 : memref<!tpu.dma_semaphore, #tpu.memory_space<semaphore_mem>>)
    %dma_start3A_30 = arith.constant 240 : i32
    %dma_start3A_31 = arith.constant 0 : i32
    %dma_start3A_32 = tpu.memref_slice %arg7[%dma_start3A_30, %dma_start3A_31] : memref<800x64xf32, #tpu.memory_space<vmem>> -> memref<80x64xf32, #tpu.memory_space<vmem>>
    %dma_start3A_33 = arith.constant 240 : i32
    %dma_start3A_34 = tpu.memref_slice %arg5[%dma_start3A_33] : memref<800xi32, #tpu.memory_space<vmem>> -> memref<80xi32, #tpu.memory_space<vmem>>
    %dma_start3A_35 = arith.constant 0 : i32
    %dma_start3A_36 = arith.constant 0 : i32
    %dma_start3A_37 = tpu.memref_slice %arg3[%dma_start3A_35, %dma_start3A_36] : memref<100000x64xf32, #tpu.memory_space<hbm>> -> memref<100000x64xf32, #tpu.memory_space<hbm>>
    tpu.enqueue_indirect_dma source(%dma_start3A_37 : memref<100000x64xf32, #tpu.memory_space<hbm>>) target(%dma_start3A_32 : memref<80x64xf32, #tpu.memory_space<vmem>>) offsets(%dma_start3A_34 : memref<80xi32, #tpu.memory_space<vmem>>) semaphore(%arg11 : memref<!tpu.dma_semaphore, #tpu.memory_space<semaphore_mem>>)
    %dma_start3A_38 = arith.constant 320 : i32
    %dma_start3A_39 = arith.constant 0 : i32
    %dma_start3A_40 = tpu.memref_slice %arg7[%dma_start3A_38, %dma_start3A_39] : memref<800x64xf32, #tpu.memory_space<vmem>> -> memref<80x64xf32, #tpu.memory_space<vmem>>
    %dma_start3A_41 = arith.constant 320 : i32
    %dma_start3A_42 = tpu.memref_slice %arg5[%dma_start3A_41] : memref<800xi32, #tpu.memory_space<vmem>> -> memref<80xi32, #tpu.memory_space<vmem>>
    %dma_start3A_43 = arith.constant 0 : i32
    %dma_start3A_44 = arith.constant 0 : i32
    %dma_start3A_45 = tpu.memref_slice %arg3[%dma_start3A_43, %dma_start3A_44] : memref<100000x64xf32, #tpu.memory_space<hbm>> -> memref<100000x64xf32, #tpu.memory_space<hbm>>
    tpu.enqueue_indirect_dma source(%dma_start3A_45 : memref<100000x64xf32, #tpu.memory_space<hbm>>) target(%dma_start3A_40 : memref<80x64xf32, #tpu.memory_space<vmem>>) offsets(%dma_start3A_42 : memref<80xi32, #tpu.memory_space<vmem>>) semaphore(%arg11 : memref<!tpu.dma_semaphore, #tpu.memory_space<semaphore_mem>>)
    %dma_start3A_46 = arith.constant 400 : i32
    %dma_start3A_47 = arith.constant 0 : i32
    %dma_start3A_48 = tpu.memref_slice %arg7[%dma_start3A_46, %dma_start3A_47] : memref<800x64xf32, #tpu.memory_space<vmem>> -> memref<80x64xf32, #tpu.memory_space<vmem>>
    %dma_start3A_49 = arith.constant 400 : i32
    %dma_start3A_50 = tpu.memref_slice %arg5[%dma_start3A_49] : memref<800xi32, #tpu.memory_space<vmem>> -> memref<80xi32, #tpu.memory_space<vmem>>
    %dma_start3A_51 = arith.constant 0 : i32
    %dma_start3A_52 = arith.constant 0 : i32
    %dma_start3A_53 = tpu.memref_slice %arg3[%dma_start3A_51, %dma_start3A_52] : memref<100000x64xf32, #tpu.memory_space<hbm>> -> memref<100000x64xf32, #tpu.memory_space<hbm>>
    tpu.enqueue_indirect_dma source(%dma_start3A_53 : memref<100000x64xf32, #tpu.memory_space<hbm>>) target(%dma_start3A_48 : memref<80x64xf32, #tpu.memory_space<vmem>>) offsets(%dma_start3A_50 : memref<80xi32, #tpu.memory_space<vmem>>) semaphore(%arg11 : memref<!tpu.dma_semaphore, #tpu.memory_space<semaphore_mem>>)
    %dma_start3A_54 = arith.constant 480 : i32
    %dma_start3A_55 = arith.constant 0 : i32
    %dma_start3A_56 = tpu.memref_slice %arg7[%dma_start3A_54, %dma_start3A_55] : memref<800x64xf32, #tpu.memory_space<vmem>> -> memref<80x64xf32, #tpu.memory_space<vmem>>
    %dma_start3A_57 = arith.constant 480 : i32
    %dma_start3A_58 = tpu.memref_slice %arg5[%dma_start3A_57] : memref<800xi32, #tpu.memory_space<vmem>> -> memref<80xi32, #tpu.memory_space<vmem>>
    %dma_start3A_59 = arith.constant 0 : i32
    %dma_start3A_60 = arith.constant 0 : i32
    %dma_start3A_61 = tpu.memref_slice %arg3[%dma_start3A_59, %dma_start3A_60] : memref<100000x64xf32, #tpu.memory_space<hbm>> -> memref<100000x64xf32, #tpu.memory_space<hbm>>
    tpu.enqueue_indirect_dma source(%dma_start3A_61 : memref<100000x64xf32, #tpu.memory_space<hbm>>) target(%dma_start3A_56 : memref<80x64xf32, #tpu.memory_space<vmem>>) offsets(%dma_start3A_58 : memref<80xi32, #tpu.memory_space<vmem>>) semaphore(%arg11 : memref<!tpu.dma_semaphore, #tpu.memory_space<semaphore_mem>>)
    %dma_start3A_62 = arith.constant 560 : i32
    %dma_start3A_63 = arith.constant 0 : i32
    %dma_start3A_64 = tpu.memref_slice %arg7[%dma_start3A_62, %dma_start3A_63] : memref<800x64xf32, #tpu.memory_space<vmem>> -> memref<80x64xf32, #tpu.memory_space<vmem>>
    %dma_start3A_65 = arith.constant 560 : i32
    %dma_start3A_66 = tpu.memref_slice %arg5[%dma_start3A_65] : memref<800xi32, #tpu.memory_space<vmem>> -> memref<80xi32, #tpu.memory_space<vmem>>
    %dma_start3A_67 = arith.constant 0 : i32
    %dma_start3A_68 = arith.constant 0 : i32
    %dma_start3A_69 = tpu.memref_slice %arg3[%dma_start3A_67, %dma_start3A_68] : memref<100000x64xf32, #tpu.memory_space<hbm>> -> memref<100000x64xf32, #tpu.memory_space<hbm>>
    tpu.enqueue_indirect_dma source(%dma_start3A_69 : memref<100000x64xf32, #tpu.memory_space<hbm>>) target(%dma_start3A_64 : memref<80x64xf32, #tpu.memory_space<vmem>>) offsets(%dma_start3A_66 : memref<80xi32, #tpu.memory_space<vmem>>) semaphore(%arg11 : memref<!tpu.dma_semaphore, #tpu.memory_space<semaphore_mem>>)
    %dma_start3A_70 = arith.constant 640 : i32
    %dma_start3A_71 = arith.constant 0 : i32
    %dma_start3A_72 = tpu.memref_slice %arg7[%dma_start3A_70, %dma_start3A_71] : memref<800x64xf32, #tpu.memory_space<vmem>> -> memref<80x64xf32, #tpu.memory_space<vmem>>
    %dma_start3A_73 = arith.constant 640 : i32
    %dma_start3A_74 = tpu.memref_slice %arg5[%dma_start3A_73] : memref<800xi32, #tpu.memory_space<vmem>> -> memref<80xi32, #tpu.memory_space<vmem>>
    %dma_start3A_75 = arith.constant 0 : i32
    %dma_start3A_76 = arith.constant 0 : i32
    %dma_start3A_77 = tpu.memref_slice %arg3[%dma_start3A_75, %dma_start3A_76] : memref<100000x64xf32, #tpu.memory_space<hbm>> -> memref<100000x64xf32, #tpu.memory_space<hbm>>
    tpu.enqueue_indirect_dma source(%dma_start3A_77 : memref<100000x64xf32, #tpu.memory_space<hbm>>) target(%dma_start3A_72 : memref<80x64xf32, #tpu.memory_space<vmem>>) offsets(%dma_start3A_74 : memref<80xi32, #tpu.memory_space<vmem>>) semaphore(%arg11 : memref<!tpu.dma_semaphore, #tpu.memory_space<semaphore_mem>>)
    %dma_start3A_78 = arith.constant 720 : i32
    %dma_start3A_79 = arith.constant 0 : i32
    %dma_start3A_80 = tpu.memref_slice %arg7[%dma_start3A_78, %dma_start3A_79] : memref<800x64xf32, #tpu.memory_space<vmem>> -> memref<80x64xf32, #tpu.memory_space<vmem>>
    %dma_start3A_81 = arith.constant 720 : i32
    %dma_start3A_82 = tpu.memref_slice %arg5[%dma_start3A_81] : memref<800xi32, #tpu.memory_space<vmem>> -> memref<80xi32, #tpu.memory_space<vmem>>
    %dma_start3A_83 = arith.constant 0 : i32
    %dma_start3A_84 = arith.constant 0 : i32
    %dma_start3A_85 = tpu.memref_slice %arg3[%dma_start3A_83, %dma_start3A_84] : memref<100000x64xf32, #tpu.memory_space<hbm>> -> memref<100000x64xf32, #tpu.memory_space<hbm>>
    tpu.enqueue_indirect_dma source(%dma_start3A_85 : memref<100000x64xf32, #tpu.memory_space<hbm>>) target(%dma_start3A_80 : memref<80x64xf32, #tpu.memory_space<vmem>>) offsets(%dma_start3A_82 : memref<80xi32, #tpu.memory_space<vmem>>) semaphore(%arg11 : memref<!tpu.dma_semaphore, #tpu.memory_space<semaphore_mem>>)
    %add3A_86 = arith.constant 16 : i32
    %add3A_87 = arith.addi %mul3A_2, %add3A_86 : i32
    %mul3A_88 = arith.constant 50 : i32
    %mul3A_89 = arith.muli %add3A_87, %mul3A_88 : i32
    "tpu.region"() ({
      %run_scoped3A = tpu.sem_alloc : memref<!tpu.dma_semaphore, #tpu.memory_space<semaphore_mem>>
      %dma_start3A_186 = tpu.memref_slice %arg2[%mul3A_89] : memref<819200xi32, #tpu.memory_space<hbm>> -> memref<800xi32, #tpu.memory_space<hbm>>
      %dma_start3A_187 = tpu.memref_slice %arg2[%mul3A_89] : memref<819200xi32, #tpu.memory_space<hbm>> -> memref<800xi32, #tpu.memory_space<hbm>>
      tpu.enqueue_dma source(%dma_start3A_187 : memref<800xi32, #tpu.memory_space<hbm>>) target(%arg6 : memref<800xi32, #tpu.memory_space<vmem>>) target_semaphore(%run_scoped3A : memref<!tpu.dma_semaphore, #tpu.memory_space<semaphore_mem>>)
      %dma_wait3A_188 = tpu.memref_slice %arg2[%mul3A_89] : memref<819200xi32, #tpu.memory_space<hbm>> -> memref<800xi32, #tpu.memory_space<hbm>>
      %dma_wait3A_189 = tpu.memref_slice %arg2[%mul3A_89] : memref<819200xi32, #tpu.memory_space<hbm>> -> memref<800xi32, #tpu.memory_space<hbm>>
      tpu.wait_dma2 semaphore(%run_scoped3A : memref<!tpu.dma_semaphore, #tpu.memory_space<semaphore_mem>>) src(%dma_wait3A_189 : memref<800xi32, #tpu.memory_space<hbm>>) dst(%arg6 : memref<800xi32, #tpu.memory_space<vmem>>)
      tpu.yield
    }) : () -> ()
    %dma_start3A_90 = arith.constant 0 : i32
    %dma_start3A_91 = arith.constant 0 : i32
    %dma_start3A_92 = tpu.memref_slice %arg8[%dma_start3A_90, %dma_start3A_91] : memref<800x64xf32, #tpu.memory_space<vmem>> -> memref<80x64xf32, #tpu.memory_space<vmem>>
    %dma_start3A_93 = arith.constant 0 : i32
    %dma_start3A_94 = tpu.memref_slice %arg6[%dma_start3A_93] : memref<800xi32, #tpu.memory_space<vmem>> -> memref<80xi32, #tpu.memory_space<vmem>>
    %dma_start3A_95 = arith.constant 0 : i32
    %dma_start3A_96 = arith.constant 0 : i32
    %dma_start3A_97 = tpu.memref_slice %arg3[%dma_start3A_95, %dma_start3A_96] : memref<100000x64xf32, #tpu.memory_space<hbm>> -> memref<100000x64xf32, #tpu.memory_space<hbm>>
    tpu.enqueue_indirect_dma source(%dma_start3A_97 : memref<100000x64xf32, #tpu.memory_space<hbm>>) target(%dma_start3A_92 : memref<80x64xf32, #tpu.memory_space<vmem>>) offsets(%dma_start3A_94 : memref<80xi32, #tpu.memory_space<vmem>>) semaphore(%arg12 : memref<!tpu.dma_semaphore, #tpu.memory_space<semaphore_mem>>)
    %dma_start3A_98 = arith.constant 80 : i32
    %dma_start3A_99 = arith.constant 0 : i32
    %dma_start3A_100 = tpu.memref_slice %arg8[%dma_start3A_98, %dma_start3A_99] : memref<800x64xf32, #tpu.memory_space<vmem>> -> memref<80x64xf32, #tpu.memory_space<vmem>>
    %dma_start3A_101 = arith.constant 80 : i32
    %dma_start3A_102 = tpu.memref_slice %arg6[%dma_start3A_101] : memref<800xi32, #tpu.memory_space<vmem>> -> memref<80xi32, #tpu.memory_space<vmem>>
    %dma_start3A_103 = arith.constant 0 : i32
    %dma_start3A_104 = arith.constant 0 : i32
    %dma_start3A_105 = tpu.memref_slice %arg3[%dma_start3A_103, %dma_start3A_104] : memref<100000x64xf32, #tpu.memory_space<hbm>> -> memref<100000x64xf32, #tpu.memory_space<hbm>>
    tpu.enqueue_indirect_dma source(%dma_start3A_105 : memref<100000x64xf32, #tpu.memory_space<hbm>>) target(%dma_start3A_100 : memref<80x64xf32, #tpu.memory_space<vmem>>) offsets(%dma_start3A_102 : memref<80xi32, #tpu.memory_space<vmem>>) semaphore(%arg12 : memref<!tpu.dma_semaphore, #tpu.memory_space<semaphore_mem>>)
    %dma_start3A_106 = arith.constant 160 : i32
    %dma_start3A_107 = arith.constant 0 : i32
    %dma_start3A_108 = tpu.memref_slice %arg8[%dma_start3A_106, %dma_start3A_107] : memref<800x64xf32, #tpu.memory_space<vmem>> -> memref<80x64xf32, #tpu.memory_space<vmem>>
    %dma_start3A_109 = arith.constant 160 : i32
    %dma_start3A_110 = tpu.memref_slice %arg6[%dma_start3A_109] : memref<800xi32, #tpu.memory_space<vmem>> -> memref<80xi32, #tpu.memory_space<vmem>>
    %dma_start3A_111 = arith.constant 0 : i32
    %dma_start3A_112 = arith.constant 0 : i32
    %dma_start3A_113 = tpu.memref_slice %arg3[%dma_start3A_111, %dma_start3A_112] : memref<100000x64xf32, #tpu.memory_space<hbm>> -> memref<100000x64xf32, #tpu.memory_space<hbm>>
    tpu.enqueue_indirect_dma source(%dma_start3A_113 : memref<100000x64xf32, #tpu.memory_space<hbm>>) target(%dma_start3A_108 : memref<80x64xf32, #tpu.memory_space<vmem>>) offsets(%dma_start3A_110 : memref<80xi32, #tpu.memory_space<vmem>>) semaphore(%arg12 : memref<!tpu.dma_semaphore, #tpu.memory_space<semaphore_mem>>)
    %dma_start3A_114 = arith.constant 240 : i32
    %dma_start3A_115 = arith.constant 0 : i32
    %dma_start3A_116 = tpu.memref_slice %arg8[%dma_start3A_114, %dma_start3A_115] : memref<800x64xf32, #tpu.memory_space<vmem>> -> memref<80x64xf32, #tpu.memory_space<vmem>>
    %dma_start3A_117 = arith.constant 240 : i32
    %dma_start3A_118 = tpu.memref_slice %arg6[%dma_start3A_117] : memref<800xi32, #tpu.memory_space<vmem>> -> memref<80xi32, #tpu.memory_space<vmem>>
    %dma_start3A_119 = arith.constant 0 : i32
    %dma_start3A_120 = arith.constant 0 : i32
    %dma_start3A_121 = tpu.memref_slice %arg3[%dma_start3A_119, %dma_start3A_120] : memref<100000x64xf32, #tpu.memory_space<hbm>> -> memref<100000x64xf32, #tpu.memory_space<hbm>>
    tpu.enqueue_indirect_dma source(%dma_start3A_121 : memref<100000x64xf32, #tpu.memory_space<hbm>>) target(%dma_start3A_116 : memref<80x64xf32, #tpu.memory_space<vmem>>) offsets(%dma_start3A_118 : memref<80xi32, #tpu.memory_space<vmem>>) semaphore(%arg12 : memref<!tpu.dma_semaphore, #tpu.memory_space<semaphore_mem>>)
    %dma_start3A_122 = arith.constant 320 : i32
    %dma_start3A_123 = arith.constant 0 : i32
    %dma_start3A_124 = tpu.memref_slice %arg8[%dma_start3A_122, %dma_start3A_123] : memref<800x64xf32, #tpu.memory_space<vmem>> -> memref<80x64xf32, #tpu.memory_space<vmem>>
    %dma_start3A_125 = arith.constant 320 : i32
    %dma_start3A_126 = tpu.memref_slice %arg6[%dma_start3A_125] : memref<800xi32, #tpu.memory_space<vmem>> -> memref<80xi32, #tpu.memory_space<vmem>>
    %dma_start3A_127 = arith.constant 0 : i32
    %dma_start3A_128 = arith.constant 0 : i32
    %dma_start3A_129 = tpu.memref_slice %arg3[%dma_start3A_127, %dma_start3A_128] : memref<100000x64xf32, #tpu.memory_space<hbm>> -> memref<100000x64xf32, #tpu.memory_space<hbm>>
    tpu.enqueue_indirect_dma source(%dma_start3A_129 : memref<100000x64xf32, #tpu.memory_space<hbm>>) target(%dma_start3A_124 : memref<80x64xf32, #tpu.memory_space<vmem>>) offsets(%dma_start3A_126 : memref<80xi32, #tpu.memory_space<vmem>>) semaphore(%arg12 : memref<!tpu.dma_semaphore, #tpu.memory_space<semaphore_mem>>)
    %dma_start3A_130 = arith.constant 400 : i32
    %dma_start3A_131 = arith.constant 0 : i32
    %dma_start3A_132 = tpu.memref_slice %arg8[%dma_start3A_130, %dma_start3A_131] : memref<800x64xf32, #tpu.memory_space<vmem>> -> memref<80x64xf32, #tpu.memory_space<vmem>>
    %dma_start3A_133 = arith.constant 400 : i32
    %dma_start3A_134 = tpu.memref_slice %arg6[%dma_start3A_133] : memref<800xi32, #tpu.memory_space<vmem>> -> memref<80xi32, #tpu.memory_space<vmem>>
    %dma_start3A_135 = arith.constant 0 : i32
    %dma_start3A_136 = arith.constant 0 : i32
    %dma_start3A_137 = tpu.memref_slice %arg3[%dma_start3A_135, %dma_start3A_136] : memref<100000x64xf32, #tpu.memory_space<hbm>> -> memref<100000x64xf32, #tpu.memory_space<hbm>>
    tpu.enqueue_indirect_dma source(%dma_start3A_137 : memref<100000x64xf32, #tpu.memory_space<hbm>>) target(%dma_start3A_132 : memref<80x64xf32, #tpu.memory_space<vmem>>) offsets(%dma_start3A_134 : memref<80xi32, #tpu.memory_space<vmem>>) semaphore(%arg12 : memref<!tpu.dma_semaphore, #tpu.memory_space<semaphore_mem>>)
    %dma_start3A_138 = arith.constant 480 : i32
    %dma_start3A_139 = arith.constant 0 : i32
    %dma_start3A_140 = tpu.memref_slice %arg8[%dma_start3A_138, %dma_start3A_139] : memref<800x64xf32, #tpu.memory_space<vmem>> -> memref<80x64xf32, #tpu.memory_space<vmem>>
    %dma_start3A_141 = arith.constant 480 : i32
    %dma_start3A_142 = tpu.memref_slice %arg6[%dma_start3A_141] : memref<800xi32, #tpu.memory_space<vmem>> -> memref<80xi32, #tpu.memory_space<vmem>>
    %dma_start3A_143 = arith.constant 0 : i32
    %dma_start3A_144 = arith.constant 0 : i32
    %dma_start3A_145 = tpu.memref_slice %arg3[%dma_start3A_143, %dma_start3A_144] : memref<100000x64xf32, #tpu.memory_space<hbm>> -> memref<100000x64xf32, #tpu.memory_space<hbm>>
    tpu.enqueue_indirect_dma source(%dma_start3A_145 : memref<100000x64xf32, #tpu.memory_space<hbm>>) target(%dma_start3A_140 : memref<80x64xf32, #tpu.memory_space<vmem>>) offsets(%dma_start3A_142 : memref<80xi32, #tpu.memory_space<vmem>>) semaphore(%arg12 : memref<!tpu.dma_semaphore, #tpu.memory_space<semaphore_mem>>)
    %dma_start3A_146 = arith.constant 560 : i32
    %dma_start3A_147 = arith.constant 0 : i32
    %dma_start3A_148 = tpu.memref_slice %arg8[%dma_start3A_146, %dma_start3A_147] : memref<800x64xf32, #tpu.memory_space<vmem>> -> memref<80x64xf32, #tpu.memory_space<vmem>>
    %dma_start3A_149 = arith.constant 560 : i32
    %dma_start3A_150 = tpu.memref_slice %arg6[%dma_start3A_149] : memref<800xi32, #tpu.memory_space<vmem>> -> memref<80xi32, #tpu.memory_space<vmem>>
    %dma_start3A_151 = arith.constant 0 : i32
    %dma_start3A_152 = arith.constant 0 : i32
    %dma_start3A_153 = tpu.memref_slice %arg3[%dma_start3A_151, %dma_start3A_152] : memref<100000x64xf32, #tpu.memory_space<hbm>> -> memref<100000x64xf32, #tpu.memory_space<hbm>>
    tpu.enqueue_indirect_dma source(%dma_start3A_153 : memref<100000x64xf32, #tpu.memory_space<hbm>>) target(%dma_start3A_148 : memref<80x64xf32, #tpu.memory_space<vmem>>) offsets(%dma_start3A_150 : memref<80xi32, #tpu.memory_space<vmem>>) semaphore(%arg12 : memref<!tpu.dma_semaphore, #tpu.memory_space<semaphore_mem>>)
    %dma_start3A_154 = arith.constant 640 : i32
    %dma_start3A_155 = arith.constant 0 : i32
    %dma_start3A_156 = tpu.memref_slice %arg8[%dma_start3A_154, %dma_start3A_155] : memref<800x64xf32, #tpu.memory_space<vmem>> -> memref<80x64xf32, #tpu.memory_space<vmem>>
    %dma_start3A_157 = arith.constant 640 : i32
    %dma_start3A_158 = tpu.memref_slice %arg6[%dma_start3A_157] : memref<800xi32, #tpu.memory_space<vmem>> -> memref<80xi32, #tpu.memory_space<vmem>>
    %dma_start3A_159 = arith.constant 0 : i32
    %dma_start3A_160 = arith.constant 0 : i32
    %dma_start3A_161 = tpu.memref_slice %arg3[%dma_start3A_159, %dma_start3A_160] : memref<100000x64xf32, #tpu.memory_space<hbm>> -> memref<100000x64xf32, #tpu.memory_space<hbm>>
    tpu.enqueue_indirect_dma source(%dma_start3A_161 : memref<100000x64xf32, #tpu.memory_space<hbm>>) target(%dma_start3A_156 : memref<80x64xf32, #tpu.memory_space<vmem>>) offsets(%dma_start3A_158 : memref<80xi32, #tpu.memory_space<vmem>>) semaphore(%arg12 : memref<!tpu.dma_semaphore, #tpu.memory_space<semaphore_mem>>)
    %dma_start3A_162 = arith.constant 720 : i32
    %dma_start3A_163 = arith.constant 0 : i32
    %dma_start3A_164 = tpu.memref_slice %arg8[%dma_start3A_162, %dma_start3A_163] : memref<800x64xf32, #tpu.memory_space<vmem>> -> memref<80x64xf32, #tpu.memory_space<vmem>>
    %dma_start3A_165 = arith.constant 720 : i32
    %dma_start3A_166 = tpu.memref_slice %arg6[%dma_start3A_165] : memref<800xi32, #tpu.memory_space<vmem>> -> memref<80xi32, #tpu.memory_space<vmem>>
    %dma_start3A_167 = arith.constant 0 : i32
    %dma_start3A_168 = arith.constant 0 : i32
    %dma_start3A_169 = tpu.memref_slice %arg3[%dma_start3A_167, %dma_start3A_168] : memref<100000x64xf32, #tpu.memory_space<hbm>> -> memref<100000x64xf32, #tpu.memory_space<hbm>>
    tpu.enqueue_indirect_dma source(%dma_start3A_169 : memref<100000x64xf32, #tpu.memory_space<hbm>>) target(%dma_start3A_164 : memref<80x64xf32, #tpu.memory_space<vmem>>) offsets(%dma_start3A_166 : memref<80xi32, #tpu.memory_space<vmem>>) semaphore(%arg12 : memref<!tpu.dma_semaphore, #tpu.memory_space<semaphore_mem>>)
    %scan3A = arith.constant 0 : i32
    %scan3A_170 = arith.constant 0 : i32
    %scan3A_171 = arith.constant 16 : i32
    %scan3A_172 = arith.addi %scan3A_170, %scan3A_171 : i32
    %scan3A_173 = arith.constant 1 : i32
    scf.for %scan3A_186 = %scan3A_170 to %scan3A_172 step %scan3A_173  : i32 {
      %mul3A_187 = arith.constant 2 : i32
      %mul3A_188 = arith.muli %mul3A_187, %scan3A_186 : i32
      %add3A_189 = arith.constant 0 : i32
      %add3A_190 = arith.addi %mul3A_188, %add3A_189 : i32
      %dma_wait3A_191 = arith.constant 0 : i32
      %dma_wait3A_192 = arith.constant 0 : i32
      %dma_wait3A_193 = tpu.memref_slice %arg3[%dma_wait3A_191, %dma_wait3A_192] : memref<100000x64xf32, #tpu.memory_space<hbm>> -> memref<800x64xf32, #tpu.memory_space<hbm>>
      %dma_wait3A_194 = arith.constant 0 : i32
      %dma_wait3A_195 = arith.constant 0 : i32
      %dma_wait3A_196 = tpu.memref_slice %arg3[%dma_wait3A_194, %dma_wait3A_195] : memref<100000x64xf32, #tpu.memory_space<hbm>> -> memref<800x64xf32, #tpu.memory_space<hbm>>
      tpu.wait_dma2 semaphore(%arg11 : memref<!tpu.dma_semaphore, #tpu.memory_space<semaphore_mem>>) src(%dma_wait3A_196 : memref<800x64xf32, #tpu.memory_space<hbm>>) dst(%arg7 : memref<800x64xf32, #tpu.memory_space<vmem>>)
      %ge3A = arith.constant 2 : i32
      %ge3A_197 = arith.cmpi sge, %add3A_190, %ge3A : i32
      %convert_element_type3A = arith.extui %ge3A_197 : i1 to i32
      %cond3A = arith.constant 0 : i32
      %cond3A_198 = arith.cmpi ne, %convert_element_type3A, %cond3A : i32
      scf.if %cond3A_198 {
        %dma_wait3A_253 = arith.constant 0 : i32
        %dma_wait3A_254 = arith.constant 0 : i32
        %dma_wait3A_255 = tpu.memref_slice %arg4[%dma_wait3A_253, %dma_wait3A_254] : memref<16384x64xf32, #tpu.memory_space<hbm>> -> memref<16x64xf32, #tpu.memory_space<hbm>>
        %dma_wait3A_256 = arith.constant 0 : i32
        %dma_wait3A_257 = arith.constant 0 : i32
        %dma_wait3A_258 = tpu.memref_slice %arg4[%dma_wait3A_256, %dma_wait3A_257] : memref<16384x64xf32, #tpu.memory_space<hbm>> -> memref<16x64xf32, #tpu.memory_space<hbm>>
        tpu.wait_dma2 semaphore(%arg13 : memref<!tpu.dma_semaphore, #tpu.memory_space<semaphore_mem>>) src(%arg9 : memref<16x64xf32, #tpu.memory_space<vmem>>) dst(%dma_wait3A_258 : memref<16x64xf32, #tpu.memory_space<hbm>>)
      } else {
      }
      %scan3A_199 = arith.constant 0 : i32
      %scan3A_200 = arith.constant 0 : i32
      %scan3A_201 = arith.constant 16 : i32
      %scan3A_202 = arith.addi %scan3A_200, %scan3A_201 : i32
      %scan3A_203 = arith.constant 1 : i32
      scf.for %scan3A_253 = %scan3A_200 to %scan3A_202 step %scan3A_203  : i32 {
        %broadcast_in_dim3A = arith.constant 0.000000e+00 : f32
        %broadcast_in_dim3A_254 = vector.broadcast %broadcast_in_dim3A : f32 to vector<16xf32>
        %scan3A_255 = arith.constant 0 : i32
        %scan3A_256 = arith.constant 50 : i32
        %scan3A_257 = arith.addi %scan3A_255, %scan3A_256 : i32
        %scan3A_258 = arith.constant 10 : i32
        %scan3A_259:4 = scf.for %scan3A_280 = %scan3A_255 to %scan3A_257 step %scan3A_258 iter_args(%scan3A_281 = %broadcast_in_dim3A_254, %scan3A_282 = %broadcast_in_dim3A_254, %scan3A_283 = %broadcast_in_dim3A_254, %scan3A_284 = %broadcast_in_dim3A_254) -> (vector<16xf32>, vector<16xf32>, vector<16xf32>, vector<16xf32>)  : i32 {
          %mul3A_285 = arith.constant 50 : i32
          %mul3A_286 = arith.muli %scan3A_253, %mul3A_285 : i32
          %add3A_287 = arith.addi %mul3A_286, %scan3A_280 : i32
          %get3A = arith.index_cast %add3A_287 : i32 to index
          %get3A_288 = arith.constant 0 : index
          %get3A_289 = tpu.vector_load %arg7[%get3A, %get3A_288] {strides = array<i32>} : memref<800x64xf32, #tpu.memory_space<vmem>>, vector<1x16xf32>,
          %get3A_290 = vector.shape_cast %get3A_289 : vector<1x16xf32> to vector<16xf32>
          %add3A_291 = arith.addf %scan3A_281, %get3A_290 : vector<16xf32>
          %get3A_292 = arith.index_cast %add3A_287 : i32 to index
          %get3A_293 = arith.constant 16 : index
          %get3A_294 = tpu.vector_load %arg7[%get3A_292, %get3A_293] {strides = array<i32>} : memref<800x64xf32, #tpu.memory_space<vmem>>, vector<1x16xf32>,
          %get3A_295 = vector.shape_cast %get3A_294 : vector<1x16xf32> to vector<16xf32>
          %add3A_296 = arith.addf %scan3A_282, %get3A_295 : vector<16xf32>
          %get3A_297 = arith.index_cast %add3A_287 : i32 to index
          %get3A_298 = arith.constant 32 : index
          %get3A_299 = tpu.vector_load %arg7[%get3A_297, %get3A_298] {strides = array<i32>} : memref<800x64xf32, #tpu.memory_space<vmem>>, vector<1x16xf32>,
          %get3A_300 = vector.shape_cast %get3A_299 : vector<1x16xf32> to vector<16xf32>
          %add3A_301 = arith.addf %scan3A_283, %get3A_300 : vector<16xf32>
          %get3A_302 = arith.index_cast %add3A_287 : i32 to index
          %get3A_303 = arith.constant 48 : index
          %get3A_304 = tpu.vector_load %arg7[%get3A_302, %get3A_303] {strides = array<i32>} : memref<800x64xf32, #tpu.memory_space<vmem>>, vector<1x16xf32>,
          %get3A_305 = vector.shape_cast %get3A_304 : vector<1x16xf32> to vector<16xf32>
          %add3A_306 = arith.addf %scan3A_284, %get3A_305 : vector<16xf32>
          %scan3A_307 = arith.constant 1 : i32
          %scan3A_308 = arith.addi %scan3A_280, %scan3A_307 : i32
          %mul3A_309 = arith.constant 50 : i32
          %mul3A_310 = arith.muli %scan3A_253, %mul3A_309 : i32
          %add3A_311 = arith.addi %mul3A_310, %scan3A_308 : i32
          %get3A_312 = arith.index_cast %add3A_311 : i32 to index
          %get3A_313 = arith.constant 0 : index
          %get3A_314 = tpu.vector_load %arg7[%get3A_312, %get3A_313] {strides = array<i32>} : memref<800x64xf32, #tpu.memory_space<vmem>>, vector<1x16xf32>,
          %get3A_315 = vector.shape_cast %get3A_314 : vector<1x16xf32> to vector<16xf32>
          %add3A_316 = arith.addf %add3A_291, %get3A_315 : vector<16xf32>
          %get3A_317 = arith.index_cast %add3A_311 : i32 to index
          %get3A_318 = arith.constant 16 : index
          %get3A_319 = tpu.vector_load %arg7[%get3A_317, %get3A_318] {strides = array<i32>} : memref<800x64xf32, #tpu.memory_space<vmem>>, vector<1x16xf32>,
          %get3A_320 = vector.shape_cast %get3A_319 : vector<1x16xf32> to vector<16xf32>
          %add3A_321 = arith.addf %add3A_296, %get3A_320 : vector<16xf32>
          %get3A_322 = arith.index_cast %add3A_311 : i32 to index
          %get3A_323 = arith.constant 32 : index
          %get3A_324 = tpu.vector_load %arg7[%get3A_322, %get3A_323] {strides = array<i32>} : memref<800x64xf32, #tpu.memory_space<vmem>>, vector<1x16xf32>,
          %get3A_325 = vector.shape_cast %get3A_324 : vector<1x16xf32> to vector<16xf32>
          %add3A_326 = arith.addf %add3A_301, %get3A_325 : vector<16xf32>
          %get3A_327 = arith.index_cast %add3A_311 : i32 to index
          %get3A_328 = arith.constant 48 : index
          %get3A_329 = tpu.vector_load %arg7[%get3A_327, %get3A_328] {strides = array<i32>} : memref<800x64xf32, #tpu.memory_space<vmem>>, vector<1x16xf32>,
          %get3A_330 = vector.shape_cast %get3A_329 : vector<1x16xf32> to vector<16xf32>
          %add3A_331 = arith.addf %add3A_306, %get3A_330 : vector<16xf32>
          %scan3A_332 = arith.constant 2 : i32
          %scan3A_333 = arith.addi %scan3A_280, %scan3A_332 : i32
          %mul3A_334 = arith.constant 50 : i32
          %mul3A_335 = arith.muli %scan3A_253, %mul3A_334 : i32
          %add3A_336 = arith.addi %mul3A_335, %scan3A_333 : i32
          %get3A_337 = arith.index_cast %add3A_336 : i32 to index
          %get3A_338 = arith.constant 0 : index
          %get3A_339 = tpu.vector_load %arg7[%get3A_337, %get3A_338] {strides = array<i32>} : memref<800x64xf32, #tpu.memory_space<vmem>>, vector<1x16xf32>,
          %get3A_340 = vector.shape_cast %get3A_339 : vector<1x16xf32> to vector<16xf32>
          %add3A_341 = arith.addf %add3A_316, %get3A_340 : vector<16xf32>
          %get3A_342 = arith.index_cast %add3A_336 : i32 to index
          %get3A_343 = arith.constant 16 : index
          %get3A_344 = tpu.vector_load %arg7[%get3A_342, %get3A_343] {strides = array<i32>} : memref<800x64xf32, #tpu.memory_space<vmem>>, vector<1x16xf32>,
          %get3A_345 = vector.shape_cast %get3A_344 : vector<1x16xf32> to vector<16xf32>
          %add3A_346 = arith.addf %add3A_321, %get3A_345 : vector<16xf32>
          %get3A_347 = arith.index_cast %add3A_336 : i32 to index
          %get3A_348 = arith.constant 32 : index
          %get3A_349 = tpu.vector_load %arg7[%get3A_347, %get3A_348] {strides = array<i32>} : memref<800x64xf32, #tpu.memory_space<vmem>>, vector<1x16xf32>,
          %get3A_350 = vector.shape_cast %get3A_349 : vector<1x16xf32> to vector<16xf32>
          %add3A_351 = arith.addf %add3A_326, %get3A_350 : vector<16xf32>
          %get3A_352 = arith.index_cast %add3A_336 : i32 to index
          %get3A_353 = arith.constant 48 : index
          %get3A_354 = tpu.vector_load %arg7[%get3A_352, %get3A_353] {strides = array<i32>} : memref<800x64xf32, #tpu.memory_space<vmem>>, vector<1x16xf32>,
          %get3A_355 = vector.shape_cast %get3A_354 : vector<1x16xf32> to vector<16xf32>
          %add3A_356 = arith.addf %add3A_331, %get3A_355 : vector<16xf32>
          %scan3A_357 = arith.constant 3 : i32
          %scan3A_358 = arith.addi %scan3A_280, %scan3A_357 : i32
          %mul3A_359 = arith.constant 50 : i32
          %mul3A_360 = arith.muli %scan3A_253, %mul3A_359 : i32
          %add3A_361 = arith.addi %mul3A_360, %scan3A_358 : i32
          %get3A_362 = arith.index_cast %add3A_361 : i32 to index
          %get3A_363 = arith.constant 0 : index
          %get3A_364 = tpu.vector_load %arg7[%get3A_362, %get3A_363] {strides = array<i32>} : memref<800x64xf32, #tpu.memory_space<vmem>>, vector<1x16xf32>,
          %get3A_365 = vector.shape_cast %get3A_364 : vector<1x16xf32> to vector<16xf32>
          %add3A_366 = arith.addf %add3A_341, %get3A_365 : vector<16xf32>
          %get3A_367 = arith.index_cast %add3A_361 : i32 to index
          %get3A_368 = arith.constant 16 : index
          %get3A_369 = tpu.vector_load %arg7[%get3A_367, %get3A_368] {strides = array<i32>} : memref<800x64xf32, #tpu.memory_space<vmem>>, vector<1x16xf32>,
          %get3A_370 = vector.shape_cast %get3A_369 : vector<1x16xf32> to vector<16xf32>
          %add3A_371 = arith.addf %add3A_346, %get3A_370 : vector<16xf32>
          %get3A_372 = arith.index_cast %add3A_361 : i32 to index
          %get3A_373 = arith.constant 32 : index
          %get3A_374 = tpu.vector_load %arg7[%get3A_372, %get3A_373] {strides = array<i32>} : memref<800x64xf32, #tpu.memory_space<vmem>>, vector<1x16xf32>,
          %get3A_375 = vector.shape_cast %get3A_374 : vector<1x16xf32> to vector<16xf32>
          %add3A_376 = arith.addf %add3A_351, %get3A_375 : vector<16xf32>
          %get3A_377 = arith.index_cast %add3A_361 : i32 to index
          %get3A_378 = arith.constant 48 : index
          %get3A_379 = tpu.vector_load %arg7[%get3A_377, %get3A_378] {strides = array<i32>} : memref<800x64xf32, #tpu.memory_space<vmem>>, vector<1x16xf32>,
          %get3A_380 = vector.shape_cast %get3A_379 : vector<1x16xf32> to vector<16xf32>
          %add3A_381 = arith.addf %add3A_356, %get3A_380 : vector<16xf32>
          %scan3A_382 = arith.constant 4 : i32
          %scan3A_383 = arith.addi %scan3A_280, %scan3A_382 : i32
          %mul3A_384 = arith.constant 50 : i32
          %mul3A_385 = arith.muli %scan3A_253, %mul3A_384 : i32
          %add3A_386 = arith.addi %mul3A_385, %scan3A_383 : i32
          %get3A_387 = arith.index_cast %add3A_386 : i32 to index
          %get3A_388 = arith.constant 0 : index
          %get3A_389 = tpu.vector_load %arg7[%get3A_387, %get3A_388] {strides = array<i32>} : memref<800x64xf32, #tpu.memory_space<vmem>>, vector<1x16xf32>,
          %get3A_390 = vector.shape_cast %get3A_389 : vector<1x16xf32> to vector<16xf32>
          %add3A_391 = arith.addf %add3A_366, %get3A_390 : vector<16xf32>
          %get3A_392 = arith.index_cast %add3A_386 : i32 to index
          %get3A_393 = arith.constant 16 : index
          %get3A_394 = tpu.vector_load %arg7[%get3A_392, %get3A_393] {strides = array<i32>} : memref<800x64xf32, #tpu.memory_space<vmem>>, vector<1x16xf32>,
          %get3A_395 = vector.shape_cast %get3A_394 : vector<1x16xf32> to vector<16xf32>
          %add3A_396 = arith.addf %add3A_371, %get3A_395 : vector<16xf32>
          %get3A_397 = arith.index_cast %add3A_386 : i32 to index
          %get3A_398 = arith.constant 32 : index
          %get3A_399 = tpu.vector_load %arg7[%get3A_397, %get3A_398] {strides = array<i32>} : memref<800x64xf32, #tpu.memory_space<vmem>>, vector<1x16xf32>,
          %get3A_400 = vector.shape_cast %get3A_399 : vector<1x16xf32> to vector<16xf32>
          %add3A_401 = arith.addf %add3A_376, %get3A_400 : vector<16xf32>
          %get3A_402 = arith.index_cast %add3A_386 : i32 to index
          %get3A_403 = arith.constant 48 : index
          %get3A_404 = tpu.vector_load %arg7[%get3A_402, %get3A_403] {strides = array<i32>} : memref<800x64xf32, #tpu.memory_space<vmem>>, vector<1x16xf32>,
          %get3A_405 = vector.shape_cast %get3A_404 : vector<1x16xf32> to vector<16xf32>
          %add3A_406 = arith.addf %add3A_381, %get3A_405 : vector<16xf32>
          %scan3A_407 = arith.constant 5 : i32
          %scan3A_408 = arith.addi %scan3A_280, %scan3A_407 : i32
          %mul3A_409 = arith.constant 50 : i32
          %mul3A_410 = arith.muli %scan3A_253, %mul3A_409 : i32
          %add3A_411 = arith.addi %mul3A_410, %scan3A_408 : i32
          %get3A_412 = arith.index_cast %add3A_411 : i32 to index
          %get3A_413 = arith.constant 0 : index
          %get3A_414 = tpu.vector_load %arg7[%get3A_412, %get3A_413] {strides = array<i32>} : memref<800x64xf32, #tpu.memory_space<vmem>>, vector<1x16xf32>,
          %get3A_415 = vector.shape_cast %get3A_414 : vector<1x16xf32> to vector<16xf32>
          %add3A_416 = arith.addf %add3A_391, %get3A_415 : vector<16xf32>
          %get3A_417 = arith.index_cast %add3A_411 : i32 to index
          %get3A_418 = arith.constant 16 : index
          %get3A_419 = tpu.vector_load %arg7[%get3A_417, %get3A_418] {strides = array<i32>} : memref<800x64xf32, #tpu.memory_space<vmem>>, vector<1x16xf32>,
          %get3A_420 = vector.shape_cast %get3A_419 : vector<1x16xf32> to vector<16xf32>
          %add3A_421 = arith.addf %add3A_396, %get3A_420 : vector<16xf32>
          %get3A_422 = arith.index_cast %add3A_411 : i32 to index
          %get3A_423 = arith.constant 32 : index
          %get3A_424 = tpu.vector_load %arg7[%get3A_422, %get3A_423] {strides = array<i32>} : memref<800x64xf32, #tpu.memory_space<vmem>>, vector<1x16xf32>,
          %get3A_425 = vector.shape_cast %get3A_424 : vector<1x16xf32> to vector<16xf32>
          %add3A_426 = arith.addf %add3A_401, %get3A_425 : vector<16xf32>
          %get3A_427 = arith.index_cast %add3A_411 : i32 to index
          %get3A_428 = arith.constant 48 : index
          %get3A_429 = tpu.vector_load %arg7[%get3A_427, %get3A_428] {strides = array<i32>} : memref<800x64xf32, #tpu.memory_space<vmem>>, vector<1x16xf32>,
          %get3A_430 = vector.shape_cast %get3A_429 : vector<1x16xf32> to vector<16xf32>
          %add3A_431 = arith.addf %add3A_406, %get3A_430 : vector<16xf32>
          %scan3A_432 = arith.constant 6 : i32
          %scan3A_433 = arith.addi %scan3A_280, %scan3A_432 : i32
          %mul3A_434 = arith.constant 50 : i32
          %mul3A_435 = arith.muli %scan3A_253, %mul3A_434 : i32
          %add3A_436 = arith.addi %mul3A_435, %scan3A_433 : i32
          %get3A_437 = arith.index_cast %add3A_436 : i32 to index
          %get3A_438 = arith.constant 0 : index
          %get3A_439 = tpu.vector_load %arg7[%get3A_437, %get3A_438] {strides = array<i32>} : memref<800x64xf32, #tpu.memory_space<vmem>>, vector<1x16xf32>,
          %get3A_440 = vector.shape_cast %get3A_439 : vector<1x16xf32> to vector<16xf32>
          %add3A_441 = arith.addf %add3A_416, %get3A_440 : vector<16xf32>
          %get3A_442 = arith.index_cast %add3A_436 : i32 to index
          %get3A_443 = arith.constant 16 : index
          %get3A_444 = tpu.vector_load %arg7[%get3A_442, %get3A_443] {strides = array<i32>} : memref<800x64xf32, #tpu.memory_space<vmem>>, vector<1x16xf32>,
          %get3A_445 = vector.shape_cast %get3A_444 : vector<1x16xf32> to vector<16xf32>
          %add3A_446 = arith.addf %add3A_421, %get3A_445 : vector<16xf32>
          %get3A_447 = arith.index_cast %add3A_436 : i32 to index
          %get3A_448 = arith.constant 32 : index
          %get3A_449 = tpu.vector_load %arg7[%get3A_447, %get3A_448] {strides = array<i32>} : memref<800x64xf32, #tpu.memory_space<vmem>>, vector<1x16xf32>,
          %get3A_450 = vector.shape_cast %get3A_449 : vector<1x16xf32> to vector<16xf32>
          %add3A_451 = arith.addf %add3A_426, %get3A_450 : vector<16xf32>
          %get3A_452 = arith.index_cast %add3A_436 : i32 to index
          %get3A_453 = arith.constant 48 : index
          %get3A_454 = tpu.vector_load %arg7[%get3A_452, %get3A_453] {strides = array<i32>} : memref<800x64xf32, #tpu.memory_space<vmem>>, vector<1x16xf32>,
          %get3A_455 = vector.shape_cast %get3A_454 : vector<1x16xf32> to vector<16xf32>
          %add3A_456 = arith.addf %add3A_431, %get3A_455 : vector<16xf32>
          %scan3A_457 = arith.constant 7 : i32
          %scan3A_458 = arith.addi %scan3A_280, %scan3A_457 : i32
          %mul3A_459 = arith.constant 50 : i32
          %mul3A_460 = arith.muli %scan3A_253, %mul3A_459 : i32
          %add3A_461 = arith.addi %mul3A_460, %scan3A_458 : i32
          %get3A_462 = arith.index_cast %add3A_461 : i32 to index
          %get3A_463 = arith.constant 0 : index
          %get3A_464 = tpu.vector_load %arg7[%get3A_462, %get3A_463] {strides = array<i32>} : memref<800x64xf32, #tpu.memory_space<vmem>>, vector<1x16xf32>,
          %get3A_465 = vector.shape_cast %get3A_464 : vector<1x16xf32> to vector<16xf32>
          %add3A_466 = arith.addf %add3A_441, %get3A_465 : vector<16xf32>
          %get3A_467 = arith.index_cast %add3A_461 : i32 to index
          %get3A_468 = arith.constant 16 : index
          %get3A_469 = tpu.vector_load %arg7[%get3A_467, %get3A_468] {strides = array<i32>} : memref<800x64xf32, #tpu.memory_space<vmem>>, vector<1x16xf32>,
          %get3A_470 = vector.shape_cast %get3A_469 : vector<1x16xf32> to vector<16xf32>
          %add3A_471 = arith.addf %add3A_446, %get3A_470 : vector<16xf32>
          %get3A_472 = arith.index_cast %add3A_461 : i32 to index
          %get3A_473 = arith.constant 32 : index
          %get3A_474 = tpu.vector_load %arg7[%get3A_472, %get3A_473] {strides = array<i32>} : memref<800x64xf32, #tpu.memory_space<vmem>>, vector<1x16xf32>,
          %get3A_475 = vector.shape_cast %get3A_474 : vector<1x16xf32> to vector<16xf32>
          %add3A_476 = arith.addf %add3A_451, %get3A_475 : vector<16xf32>
          %get3A_477 = arith.index_cast %add3A_461 : i32 to index
          %get3A_478 = arith.constant 48 : index
          %get3A_479 = tpu.vector_load %arg7[%get3A_477, %get3A_478] {strides = array<i32>} : memref<800x64xf32, #tpu.memory_space<vmem>>, vector<1x16xf32>,
          %get3A_480 = vector.shape_cast %get3A_479 : vector<1x16xf32> to vector<16xf32>
          %add3A_481 = arith.addf %add3A_456, %get3A_480 : vector<16xf32>
          %scan3A_482 = arith.constant 8 : i32
          %scan3A_483 = arith.addi %scan3A_280, %scan3A_482 : i32
          %mul3A_484 = arith.constant 50 : i32
          %mul3A_485 = arith.muli %scan3A_253, %mul3A_484 : i32
          %add3A_486 = arith.addi %mul3A_485, %scan3A_483 : i32
          %get3A_487 = arith.index_cast %add3A_486 : i32 to index
          %get3A_488 = arith.constant 0 : index
          %get3A_489 = tpu.vector_load %arg7[%get3A_487, %get3A_488] {strides = array<i32>} : memref<800x64xf32, #tpu.memory_space<vmem>>, vector<1x16xf32>,
          %get3A_490 = vector.shape_cast %get3A_489 : vector<1x16xf32> to vector<16xf32>
          %add3A_491 = arith.addf %add3A_466, %get3A_490 : vector<16xf32>
          %get3A_492 = arith.index_cast %add3A_486 : i32 to index
          %get3A_493 = arith.constant 16 : index
          %get3A_494 = tpu.vector_load %arg7[%get3A_492, %get3A_493] {strides = array<i32>} : memref<800x64xf32, #tpu.memory_space<vmem>>, vector<1x16xf32>,
          %get3A_495 = vector.shape_cast %get3A_494 : vector<1x16xf32> to vector<16xf32>
          %add3A_496 = arith.addf %add3A_471, %get3A_495 : vector<16xf32>
          %get3A_497 = arith.index_cast %add3A_486 : i32 to index
          %get3A_498 = arith.constant 32 : index
          %get3A_499 = tpu.vector_load %arg7[%get3A_497, %get3A_498] {strides = array<i32>} : memref<800x64xf32, #tpu.memory_space<vmem>>, vector<1x16xf32>,
          %get3A_500 = vector.shape_cast %get3A_499 : vector<1x16xf32> to vector<16xf32>
          %add3A_501 = arith.addf %add3A_476, %get3A_500 : vector<16xf32>
          %get3A_502 = arith.index_cast %add3A_486 : i32 to index
          %get3A_503 = arith.constant 48 : index
          %get3A_504 = tpu.vector_load %arg7[%get3A_502, %get3A_503] {strides = array<i32>} : memref<800x64xf32, #tpu.memory_space<vmem>>, vector<1x16xf32>,
          %get3A_505 = vector.shape_cast %get3A_504 : vector<1x16xf32> to vector<16xf32>
          %add3A_506 = arith.addf %add3A_481, %get3A_505 : vector<16xf32>
          %scan3A_507 = arith.constant 9 : i32
          %scan3A_508 = arith.addi %scan3A_280, %scan3A_507 : i32
          %mul3A_509 = arith.constant 50 : i32
          %mul3A_510 = arith.muli %scan3A_253, %mul3A_509 : i32
          %add3A_511 = arith.addi %mul3A_510, %scan3A_508 : i32
          %get3A_512 = arith.index_cast %add3A_511 : i32 to index
          %get3A_513 = arith.constant 0 : index
          %get3A_514 = tpu.vector_load %arg7[%get3A_512, %get3A_513] {strides = array<i32>} : memref<800x64xf32, #tpu.memory_space<vmem>>, vector<1x16xf32>,
          %get3A_515 = vector.shape_cast %get3A_514 : vector<1x16xf32> to vector<16xf32>
          %add3A_516 = arith.addf %add3A_491, %get3A_515 : vector<16xf32>
          %get3A_517 = arith.index_cast %add3A_511 : i32 to index
          %get3A_518 = arith.constant 16 : index
          %get3A_519 = tpu.vector_load %arg7[%get3A_517, %get3A_518] {strides = array<i32>} : memref<800x64xf32, #tpu.memory_space<vmem>>, vector<1x16xf32>,
          %get3A_520 = vector.shape_cast %get3A_519 : vector<1x16xf32> to vector<16xf32>
          %add3A_521 = arith.addf %add3A_496, %get3A_520 : vector<16xf32>
          %get3A_522 = arith.index_cast %add3A_511 : i32 to index
          %get3A_523 = arith.constant 32 : index
          %get3A_524 = tpu.vector_load %arg7[%get3A_522, %get3A_523] {strides = array<i32>} : memref<800x64xf32, #tpu.memory_space<vmem>>, vector<1x16xf32>,
          %get3A_525 = vector.shape_cast %get3A_524 : vector<1x16xf32> to vector<16xf32>
          %add3A_526 = arith.addf %add3A_501, %get3A_525 : vector<16xf32>
          %get3A_527 = arith.index_cast %add3A_511 : i32 to index
          %get3A_528 = arith.constant 48 : index
          %get3A_529 = tpu.vector_load %arg7[%get3A_527, %get3A_528] {strides = array<i32>} : memref<800x64xf32, #tpu.memory_space<vmem>>, vector<1x16xf32>,
          %get3A_530 = vector.shape_cast %get3A_529 : vector<1x16xf32> to vector<16xf32>
          %add3A_531 = arith.addf %add3A_506, %get3A_530 : vector<16xf32>
          scf.yield %add3A_516, %add3A_521, %add3A_526, %add3A_531 : vector<16xf32>, vector<16xf32>, vector<16xf32>, vector<16xf32>
        }
        %scan3A_260 = arith.constant 50 : i32
        %swap3A = arith.index_cast %scan3A_253 : i32 to index
        %swap3A_261 = arith.constant 0 : index
        %swap3A_262 = tpu.vector_load %arg9[%swap3A, %swap3A_261] {strides = array<i32>} : memref<16x64xf32, #tpu.memory_space<vmem>>, vector<1x16xf32>,
        %swap3A_263 = vector.shape_cast %swap3A_262 : vector<1x16xf32> to vector<16xf32>
        %swap3A_264 = vector.shape_cast %scan3A_259#0 : vector<16xf32> to vector<1x16xf32>
        tpu.vector_store %arg9[%swap3A, %swap3A_261], %swap3A_264 {strides = array<i32>} : memref<16x64xf32, #tpu.memory_space<vmem>>, vector<1x16xf32>,
        %swap3A_265 = arith.index_cast %scan3A_253 : i32 to index
        %swap3A_266 = arith.constant 16 : index
        %swap3A_267 = tpu.vector_load %arg9[%swap3A_265, %swap3A_266] {strides = array<i32>} : memref<16x64xf32, #tpu.memory_space<vmem>>, vector<1x16xf32>,
        %swap3A_268 = vector.shape_cast %swap3A_267 : vector<1x16xf32> to vector<16xf32>
        %swap3A_269 = vector.shape_cast %scan3A_259#1 : vector<16xf32> to vector<1x16xf32>
        tpu.vector_store %arg9[%swap3A_265, %swap3A_266], %swap3A_269 {strides = array<i32>} : memref<16x64xf32, #tpu.memory_space<vmem>>, vector<1x16xf32>,
        %swap3A_270 = arith.index_cast %scan3A_253 : i32 to index
        %swap3A_271 = arith.constant 32 : index
        %swap3A_272 = tpu.vector_load %arg9[%swap3A_270, %swap3A_271] {strides = array<i32>} : memref<16x64xf32, #tpu.memory_space<vmem>>, vector<1x16xf32>,
        %swap3A_273 = vector.shape_cast %swap3A_272 : vector<1x16xf32> to vector<16xf32>
        %swap3A_274 = vector.shape_cast %scan3A_259#2 : vector<16xf32> to vector<1x16xf32>
        tpu.vector_store %arg9[%swap3A_270, %swap3A_271], %swap3A_274 {strides = array<i32>} : memref<16x64xf32, #tpu.memory_space<vmem>>, vector<1x16xf32>,
        %swap3A_275 = arith.index_cast %scan3A_253 : i32 to index
        %swap3A_276 = arith.constant 48 : index
        %swap3A_277 = tpu.vector_load %arg9[%swap3A_275, %swap3A_276] {strides = array<i32>} : memref<16x64xf32, #tpu.memory_space<vmem>>, vector<1x16xf32>,
        %swap3A_278 = vector.shape_cast %swap3A_277 : vector<1x16xf32> to vector<16xf32>
        %swap3A_279 = vector.shape_cast %scan3A_259#3 : vector<16xf32> to vector<1x16xf32>
        tpu.vector_store %arg9[%swap3A_275, %swap3A_276], %swap3A_279 {strides = array<i32>} : memref<16x64xf32, #tpu.memory_space<vmem>>, vector<1x16xf32>,
      }
      %scan3A_204 = arith.constant 16 : i32
      %mul3A_205 = arith.constant 16 : i32
      %mul3A_206 = arith.muli %add3A_190, %mul3A_205 : i32
      %add3A_207 = arith.addi %mul3A_2, %mul3A_206 : i32
      %dma_start3A_208 = arith.constant 0 : i32
      %dma_start3A_209 = tpu.memref_slice %arg4[%add3A_207, %dma_start3A_208] : memref<16384x64xf32, #tpu.memory_space<hbm>> -> memref<16x64xf32, #tpu.memory_space<hbm>>
      %dma_start3A_210 = arith.constant 0 : i32
      %dma_start3A_211 = tpu.memref_slice %arg4[%add3A_207, %dma_start3A_210] : memref<16384x64xf32, #tpu.memory_space<hbm>> -> memref<16x64xf32, #tpu.memory_space<hbm>>
      tpu.enqueue_dma source(%arg9 : memref<16x64xf32, #tpu.memory_space<vmem>>) target(%dma_start3A_211 : memref<16x64xf32, #tpu.memory_space<hbm>>) target_semaphore(%arg13 : memref<!tpu.dma_semaphore, #tpu.memory_space<semaphore_mem>>)
      %add3A_212 = arith.constant 2 : i32
      %add3A_213 = arith.addi %add3A_190, %add3A_212 : i32
      %lt3A = arith.constant 32 : i32
      %lt3A_214 = arith.cmpi slt, %add3A_213, %lt3A : i32
      %convert_element_type3A_215 = arith.extui %lt3A_214 : i1 to i32
      %cond3A_216 = arith.constant 0 : i32
      %cond3A_217 = arith.cmpi ne, %convert_element_type3A_215, %cond3A_216 : i32
      scf.if %cond3A_217 {
        %add3A_253 = arith.constant 2 : i32
        %add3A_254 = arith.addi %add3A_190, %add3A_253 : i32
        %mul3A_255 = arith.constant 16 : i32
        %mul3A_256 = arith.muli %add3A_254, %mul3A_255 : i32
        %add3A_257 = arith.addi %mul3A_2, %mul3A_256 : i32
        %mul3A_258 = arith.constant 50 : i32
        %mul3A_259 = arith.muli %add3A_257, %mul3A_258 : i32
        "tpu.region"() ({
          %run_scoped3A = tpu.sem_alloc : memref<!tpu.dma_semaphore, #tpu.memory_space<semaphore_mem>>
          %dma_start3A_340 = tpu.memref_slice %arg2[%mul3A_259] : memref<819200xi32, #tpu.memory_space<hbm>> -> memref<800xi32, #tpu.memory_space<hbm>>
          %dma_start3A_341 = tpu.memref_slice %arg2[%mul3A_259] : memref<819200xi32, #tpu.memory_space<hbm>> -> memref<800xi32, #tpu.memory_space<hbm>>
          tpu.enqueue_dma source(%dma_start3A_341 : memref<800xi32, #tpu.memory_space<hbm>>) target(%arg5 : memref<800xi32, #tpu.memory_space<vmem>>) target_semaphore(%run_scoped3A : memref<!tpu.dma_semaphore, #tpu.memory_space<semaphore_mem>>)
          %dma_wait3A_342 = tpu.memref_slice %arg2[%mul3A_259] : memref<819200xi32, #tpu.memory_space<hbm>> -> memref<800xi32, #tpu.memory_space<hbm>>
          %dma_wait3A_343 = tpu.memref_slice %arg2[%mul3A_259] : memref<819200xi32, #tpu.memory_space<hbm>> -> memref<800xi32, #tpu.memory_space<hbm>>
          tpu.wait_dma2 semaphore(%run_scoped3A : memref<!tpu.dma_semaphore, #tpu.memory_space<semaphore_mem>>) src(%dma_wait3A_343 : memref<800xi32, #tpu.memory_space<hbm>>) dst(%arg5 : memref<800xi32, #tpu.memory_space<vmem>>)
          tpu.yield
        }) : () -> ()
        %dma_start3A_260 = arith.constant 0 : i32
        %dma_start3A_261 = arith.constant 0 : i32
        %dma_start3A_262 = tpu.memref_slice %arg7[%dma_start3A_260, %dma_start3A_261] : memref<800x64xf32, #tpu.memory_space<vmem>> -> memref<80x64xf32, #tpu.memory_space<vmem>>
        %dma_start3A_263 = arith.constant 0 : i32
        %dma_start3A_264 = tpu.memref_slice %arg5[%dma_start3A_263] : memref<800xi32, #tpu.memory_space<vmem>> -> memref<80xi32, #tpu.memory_space<vmem>>
        %dma_start3A_265 = arith.constant 0 : i32
        %dma_start3A_266 = arith.constant 0 : i32
        %dma_start3A_267 = tpu.memref_slice %arg3[%dma_start3A_265, %dma_start3A_266] : memref<100000x64xf32, #tpu.memory_space<hbm>> -> memref<100000x64xf32, #tpu.memory_space<hbm>>
        tpu.enqueue_indirect_dma source(%dma_start3A_267 : memref<100000x64xf32, #tpu.memory_space<hbm>>) target(%dma_start3A_262 : memref<80x64xf32, #tpu.memory_space<vmem>>) offsets(%dma_start3A_264 : memref<80xi32, #tpu.memory_space<vmem>>) semaphore(%arg11 : memref<!tpu.dma_semaphore, #tpu.memory_space<semaphore_mem>>)
        %dma_start3A_268 = arith.constant 80 : i32
        %dma_start3A_269 = arith.constant 0 : i32
        %dma_start3A_270 = tpu.memref_slice %arg7[%dma_start3A_268, %dma_start3A_269] : memref<800x64xf32, #tpu.memory_space<vmem>> -> memref<80x64xf32, #tpu.memory_space<vmem>>
        %dma_start3A_271 = arith.constant 80 : i32
        %dma_start3A_272 = tpu.memref_slice %arg5[%dma_start3A_271] : memref<800xi32, #tpu.memory_space<vmem>> -> memref<80xi32, #tpu.memory_space<vmem>>
        %dma_start3A_273 = arith.constant 0 : i32
        %dma_start3A_274 = arith.constant 0 : i32
        %dma_start3A_275 = tpu.memref_slice %arg3[%dma_start3A_273, %dma_start3A_274] : memref<100000x64xf32, #tpu.memory_space<hbm>> -> memref<100000x64xf32, #tpu.memory_space<hbm>>
        tpu.enqueue_indirect_dma source(%dma_start3A_275 : memref<100000x64xf32, #tpu.memory_space<hbm>>) target(%dma_start3A_270 : memref<80x64xf32, #tpu.memory_space<vmem>>) offsets(%dma_start3A_272 : memref<80xi32, #tpu.memory_space<vmem>>) semaphore(%arg11 : memref<!tpu.dma_semaphore, #tpu.memory_space<semaphore_mem>>)
        %dma_start3A_276 = arith.constant 160 : i32
        %dma_start3A_277 = arith.constant 0 : i32
        %dma_start3A_278 = tpu.memref_slice %arg7[%dma_start3A_276, %dma_start3A_277] : memref<800x64xf32, #tpu.memory_space<vmem>> -> memref<80x64xf32, #tpu.memory_space<vmem>>
        %dma_start3A_279 = arith.constant 160 : i32
        %dma_start3A_280 = tpu.memref_slice %arg5[%dma_start3A_279] : memref<800xi32, #tpu.memory_space<vmem>> -> memref<80xi32, #tpu.memory_space<vmem>>
        %dma_start3A_281 = arith.constant 0 : i32
        %dma_start3A_282 = arith.constant 0 : i32
        %dma_start3A_283 = tpu.memref_slice %arg3[%dma_start3A_281, %dma_start3A_282] : memref<100000x64xf32, #tpu.memory_space<hbm>> -> memref<100000x64xf32, #tpu.memory_space<hbm>>
        tpu.enqueue_indirect_dma source(%dma_start3A_283 : memref<100000x64xf32, #tpu.memory_space<hbm>>) target(%dma_start3A_278 : memref<80x64xf32, #tpu.memory_space<vmem>>) offsets(%dma_start3A_280 : memref<80xi32, #tpu.memory_space<vmem>>) semaphore(%arg11 : memref<!tpu.dma_semaphore, #tpu.memory_space<semaphore_mem>>)
        %dma_start3A_284 = arith.constant 240 : i32
        %dma_start3A_285 = arith.constant 0 : i32
        %dma_start3A_286 = tpu.memref_slice %arg7[%dma_start3A_284, %dma_start3A_285] : memref<800x64xf32, #tpu.memory_space<vmem>> -> memref<80x64xf32, #tpu.memory_space<vmem>>
        %dma_start3A_287 = arith.constant 240 : i32
        %dma_start3A_288 = tpu.memref_slice %arg5[%dma_start3A_287] : memref<800xi32, #tpu.memory_space<vmem>> -> memref<80xi32, #tpu.memory_space<vmem>>
        %dma_start3A_289 = arith.constant 0 : i32
        %dma_start3A_290 = arith.constant 0 : i32
        %dma_start3A_291 = tpu.memref_slice %arg3[%dma_start3A_289, %dma_start3A_290] : memref<100000x64xf32, #tpu.memory_space<hbm>> -> memref<100000x64xf32, #tpu.memory_space<hbm>>
        tpu.enqueue_indirect_dma source(%dma_start3A_291 : memref<100000x64xf32, #tpu.memory_space<hbm>>) target(%dma_start3A_286 : memref<80x64xf32, #tpu.memory_space<vmem>>) offsets(%dma_start3A_288 : memref<80xi32, #tpu.memory_space<vmem>>) semaphore(%arg11 : memref<!tpu.dma_semaphore, #tpu.memory_space<semaphore_mem>>)
        %dma_start3A_292 = arith.constant 320 : i32
        %dma_start3A_293 = arith.constant 0 : i32
        %dma_start3A_294 = tpu.memref_slice %arg7[%dma_start3A_292, %dma_start3A_293] : memref<800x64xf32, #tpu.memory_space<vmem>> -> memref<80x64xf32, #tpu.memory_space<vmem>>
        %dma_start3A_295 = arith.constant 320 : i32
        %dma_start3A_296 = tpu.memref_slice %arg5[%dma_start3A_295] : memref<800xi32, #tpu.memory_space<vmem>> -> memref<80xi32, #tpu.memory_space<vmem>>
        %dma_start3A_297 = arith.constant 0 : i32
        %dma_start3A_298 = arith.constant 0 : i32
        %dma_start3A_299 = tpu.memref_slice %arg3[%dma_start3A_297, %dma_start3A_298] : memref<100000x64xf32, #tpu.memory_space<hbm>> -> memref<100000x64xf32, #tpu.memory_space<hbm>>
        tpu.enqueue_indirect_dma source(%dma_start3A_299 : memref<100000x64xf32, #tpu.memory_space<hbm>>) target(%dma_start3A_294 : memref<80x64xf32, #tpu.memory_space<vmem>>) offsets(%dma_start3A_296 : memref<80xi32, #tpu.memory_space<vmem>>) semaphore(%arg11 : memref<!tpu.dma_semaphore, #tpu.memory_space<semaphore_mem>>)
        %dma_start3A_300 = arith.constant 400 : i32
        %dma_start3A_301 = arith.constant 0 : i32
        %dma_start3A_302 = tpu.memref_slice %arg7[%dma_start3A_300, %dma_start3A_301] : memref<800x64xf32, #tpu.memory_space<vmem>> -> memref<80x64xf32, #tpu.memory_space<vmem>>
        %dma_start3A_303 = arith.constant 400 : i32
        %dma_start3A_304 = tpu.memref_slice %arg5[%dma_start3A_303] : memref<800xi32, #tpu.memory_space<vmem>> -> memref<80xi32, #tpu.memory_space<vmem>>
        %dma_start3A_305 = arith.constant 0 : i32
        %dma_start3A_306 = arith.constant 0 : i32
        %dma_start3A_307 = tpu.memref_slice %arg3[%dma_start3A_305, %dma_start3A_306] : memref<100000x64xf32, #tpu.memory_space<hbm>> -> memref<100000x64xf32, #tpu.memory_space<hbm>>
        tpu.enqueue_indirect_dma source(%dma_start3A_307 : memref<100000x64xf32, #tpu.memory_space<hbm>>) target(%dma_start3A_302 : memref<80x64xf32, #tpu.memory_space<vmem>>) offsets(%dma_start3A_304 : memref<80xi32, #tpu.memory_space<vmem>>) semaphore(%arg11 : memref<!tpu.dma_semaphore, #tpu.memory_space<semaphore_mem>>)
        %dma_start3A_308 = arith.constant 480 : i32
        %dma_start3A_309 = arith.constant 0 : i32
        %dma_start3A_310 = tpu.memref_slice %arg7[%dma_start3A_308, %dma_start3A_309] : memref<800x64xf32, #tpu.memory_space<vmem>> -> memref<80x64xf32, #tpu.memory_space<vmem>>
        %dma_start3A_311 = arith.constant 480 : i32
        %dma_start3A_312 = tpu.memref_slice %arg5[%dma_start3A_311] : memref<800xi32, #tpu.memory_space<vmem>> -> memref<80xi32, #tpu.memory_space<vmem>>
        %dma_start3A_313 = arith.constant 0 : i32
        %dma_start3A_314 = arith.constant 0 : i32
        %dma_start3A_315 = tpu.memref_slice %arg3[%dma_start3A_313, %dma_start3A_314] : memref<100000x64xf32, #tpu.memory_space<hbm>> -> memref<100000x64xf32, #tpu.memory_space<hbm>>
        tpu.enqueue_indirect_dma source(%dma_start3A_315 : memref<100000x64xf32, #tpu.memory_space<hbm>>) target(%dma_start3A_310 : memref<80x64xf32, #tpu.memory_space<vmem>>) offsets(%dma_start3A_312 : memref<80xi32, #tpu.memory_space<vmem>>) semaphore(%arg11 : memref<!tpu.dma_semaphore, #tpu.memory_space<semaphore_mem>>)
        %dma_start3A_316 = arith.constant 560 : i32
        %dma_start3A_317 = arith.constant 0 : i32
        %dma_start3A_318 = tpu.memref_slice %arg7[%dma_start3A_316, %dma_start3A_317] : memref<800x64xf32, #tpu.memory_space<vmem>> -> memref<80x64xf32, #tpu.memory_space<vmem>>
        %dma_start3A_319 = arith.constant 560 : i32
        %dma_start3A_320 = tpu.memref_slice %arg5[%dma_start3A_319] : memref<800xi32, #tpu.memory_space<vmem>> -> memref<80xi32, #tpu.memory_space<vmem>>
        %dma_start3A_321 = arith.constant 0 : i32
        %dma_start3A_322 = arith.constant 0 : i32
        %dma_start3A_323 = tpu.memref_slice %arg3[%dma_start3A_321, %dma_start3A_322] : memref<100000x64xf32, #tpu.memory_space<hbm>> -> memref<100000x64xf32, #tpu.memory_space<hbm>>
        tpu.enqueue_indirect_dma source(%dma_start3A_323 : memref<100000x64xf32, #tpu.memory_space<hbm>>) target(%dma_start3A_318 : memref<80x64xf32, #tpu.memory_space<vmem>>) offsets(%dma_start3A_320 : memref<80xi32, #tpu.memory_space<vmem>>) semaphore(%arg11 : memref<!tpu.dma_semaphore, #tpu.memory_space<semaphore_mem>>)
        %dma_start3A_324 = arith.constant 640 : i32
        %dma_start3A_325 = arith.constant 0 : i32
        %dma_start3A_326 = tpu.memref_slice %arg7[%dma_start3A_324, %dma_start3A_325] : memref<800x64xf32, #tpu.memory_space<vmem>> -> memref<80x64xf32, #tpu.memory_space<vmem>>
        %dma_start3A_327 = arith.constant 640 : i32
        %dma_start3A_328 = tpu.memref_slice %arg5[%dma_start3A_327] : memref<800xi32, #tpu.memory_space<vmem>> -> memref<80xi32, #tpu.memory_space<vmem>>
        %dma_start3A_329 = arith.constant 0 : i32
        %dma_start3A_330 = arith.constant 0 : i32
        %dma_start3A_331 = tpu.memref_slice %arg3[%dma_start3A_329, %dma_start3A_330] : memref<100000x64xf32, #tpu.memory_space<hbm>> -> memref<100000x64xf32, #tpu.memory_space<hbm>>
        tpu.enqueue_indirect_dma source(%dma_start3A_331 : memref<100000x64xf32, #tpu.memory_space<hbm>>) target(%dma_start3A_326 : memref<80x64xf32, #tpu.memory_space<vmem>>) offsets(%dma_start3A_328 : memref<80xi32, #tpu.memory_space<vmem>>) semaphore(%arg11 : memref<!tpu.dma_semaphore, #tpu.memory_space<semaphore_mem>>)
        %dma_start3A_332 = arith.constant 720 : i32
        %dma_start3A_333 = arith.constant 0 : i32
        %dma_start3A_334 = tpu.memref_slice %arg7[%dma_start3A_332, %dma_start3A_333] : memref<800x64xf32, #tpu.memory_space<vmem>> -> memref<80x64xf32, #tpu.memory_space<vmem>>
        %dma_start3A_335 = arith.constant 720 : i32
        %dma_start3A_336 = tpu.memref_slice %arg5[%dma_start3A_335] : memref<800xi32, #tpu.memory_space<vmem>> -> memref<80xi32, #tpu.memory_space<vmem>>
        %dma_start3A_337 = arith.constant 0 : i32
        %dma_start3A_338 = arith.constant 0 : i32
        %dma_start3A_339 = tpu.memref_slice %arg3[%dma_start3A_337, %dma_start3A_338] : memref<100000x64xf32, #tpu.memory_space<hbm>> -> memref<100000x64xf32, #tpu.memory_space<hbm>>
        tpu.enqueue_indirect_dma source(%dma_start3A_339 : memref<100000x64xf32, #tpu.memory_space<hbm>>) target(%dma_start3A_334 : memref<80x64xf32, #tpu.memory_space<vmem>>) offsets(%dma_start3A_336 : memref<80xi32, #tpu.memory_space<vmem>>) semaphore(%arg11 : memref<!tpu.dma_semaphore, #tpu.memory_space<semaphore_mem>>)
      } else {
      }
      %mul3A_218 = arith.constant 2 : i32
      %mul3A_219 = arith.muli %mul3A_218, %scan3A_186 : i32
      %add3A_220 = arith.constant 1 : i32
      %add3A_221 = arith.addi %mul3A_219, %add3A_220 : i32
      %dma_wait3A_222 = arith.constant 0 : i32
      %dma_wait3A_223 = arith.constant 0 : i32
      %dma_wait3A_224 = tpu.memref_slice %arg3[%dma_wait3A_222, %dma_wait3A_223] : memref<100000x64xf32, #tpu.memory_space<hbm>> -> memref<800x64xf32, #tpu.memory_space<hbm>>
      %dma_wait3A_225 = arith.constant 0 : i32
      %dma_wait3A_226 = arith.constant 0 : i32
      %dma_wait3A_227 = tpu.memref_slice %arg3[%dma_wait3A_225, %dma_wait3A_226] : memref<100000x64xf32, #tpu.memory_space<hbm>> -> memref<800x64xf32, #tpu.memory_space<hbm>>
      tpu.wait_dma2 semaphore(%arg12 : memref<!tpu.dma_semaphore, #tpu.memory_space<semaphore_mem>>) src(%dma_wait3A_227 : memref<800x64xf32, #tpu.memory_space<hbm>>) dst(%arg8 : memref<800x64xf32, #tpu.memory_space<vmem>>)
      %ge3A_228 = arith.constant 2 : i32
      %ge3A_229 = arith.cmpi sge, %add3A_221, %ge3A_228 : i32
      %convert_element_type3A_230 = arith.extui %ge3A_229 : i1 to i32
      %cond3A_231 = arith.constant 0 : i32
      %cond3A_232 = arith.cmpi ne, %convert_element_type3A_230, %cond3A_231 : i32
      scf.if %cond3A_232 {
        %dma_wait3A_253 = arith.constant 0 : i32
        %dma_wait3A_254 = arith.constant 0 : i32
        %dma_wait3A_255 = tpu.memref_slice %arg4[%dma_wait3A_253, %dma_wait3A_254] : memref<16384x64xf32, #tpu.memory_space<hbm>> -> memref<16x64xf32, #tpu.memory_space<hbm>>
        %dma_wait3A_256 = arith.constant 0 : i32
        %dma_wait3A_257 = arith.constant 0 : i32
        %dma_wait3A_258 = tpu.memref_slice %arg4[%dma_wait3A_256, %dma_wait3A_257] : memref<16384x64xf32, #tpu.memory_space<hbm>> -> memref<16x64xf32, #tpu.memory_space<hbm>>
        tpu.wait_dma2 semaphore(%arg14 : memref<!tpu.dma_semaphore, #tpu.memory_space<semaphore_mem>>) src(%arg10 : memref<16x64xf32, #tpu.memory_space<vmem>>) dst(%dma_wait3A_258 : memref<16x64xf32, #tpu.memory_space<hbm>>)
      } else {
      }
      %scan3A_233 = arith.constant 0 : i32
      %scan3A_234 = arith.constant 0 : i32
      %scan3A_235 = arith.constant 16 : i32
      %scan3A_236 = arith.addi %scan3A_234, %scan3A_235 : i32
      %scan3A_237 = arith.constant 1 : i32
      scf.for %scan3A_253 = %scan3A_234 to %scan3A_236 step %scan3A_237  : i32 {
        %broadcast_in_dim3A = arith.constant 0.000000e+00 : f32
        %broadcast_in_dim3A_254 = vector.broadcast %broadcast_in_dim3A : f32 to vector<16xf32>
        %scan3A_255 = arith.constant 0 : i32
        %scan3A_256 = arith.constant 50 : i32
        %scan3A_257 = arith.addi %scan3A_255, %scan3A_256 : i32
        %scan3A_258 = arith.constant 10 : i32
        %scan3A_259:4 = scf.for %scan3A_280 = %scan3A_255 to %scan3A_257 step %scan3A_258 iter_args(%scan3A_281 = %broadcast_in_dim3A_254, %scan3A_282 = %broadcast_in_dim3A_254, %scan3A_283 = %broadcast_in_dim3A_254, %scan3A_284 = %broadcast_in_dim3A_254) -> (vector<16xf32>, vector<16xf32>, vector<16xf32>, vector<16xf32>)  : i32 {
          %mul3A_285 = arith.constant 50 : i32
          %mul3A_286 = arith.muli %scan3A_253, %mul3A_285 : i32
          %add3A_287 = arith.addi %mul3A_286, %scan3A_280 : i32
          %get3A = arith.index_cast %add3A_287 : i32 to index
          %get3A_288 = arith.constant 0 : index
          %get3A_289 = tpu.vector_load %arg8[%get3A, %get3A_288] {strides = array<i32>} : memref<800x64xf32, #tpu.memory_space<vmem>>, vector<1x16xf32>,
          %get3A_290 = vector.shape_cast %get3A_289 : vector<1x16xf32> to vector<16xf32>
          %add3A_291 = arith.addf %scan3A_281, %get3A_290 : vector<16xf32>
          %get3A_292 = arith.index_cast %add3A_287 : i32 to index
          %get3A_293 = arith.constant 16 : index
          %get3A_294 = tpu.vector_load %arg8[%get3A_292, %get3A_293] {strides = array<i32>} : memref<800x64xf32, #tpu.memory_space<vmem>>, vector<1x16xf32>,
          %get3A_295 = vector.shape_cast %get3A_294 : vector<1x16xf32> to vector<16xf32>
          %add3A_296 = arith.addf %scan3A_282, %get3A_295 : vector<16xf32>
          %get3A_297 = arith.index_cast %add3A_287 : i32 to index
          %get3A_298 = arith.constant 32 : index
          %get3A_299 = tpu.vector_load %arg8[%get3A_297, %get3A_298] {strides = array<i32>} : memref<800x64xf32, #tpu.memory_space<vmem>>, vector<1x16xf32>,
          %get3A_300 = vector.shape_cast %get3A_299 : vector<1x16xf32> to vector<16xf32>
          %add3A_301 = arith.addf %scan3A_283, %get3A_300 : vector<16xf32>
          %get3A_302 = arith.index_cast %add3A_287 : i32 to index
          %get3A_303 = arith.constant 48 : index
          %get3A_304 = tpu.vector_load %arg8[%get3A_302, %get3A_303] {strides = array<i32>} : memref<800x64xf32, #tpu.memory_space<vmem>>, vector<1x16xf32>,
          %get3A_305 = vector.shape_cast %get3A_304 : vector<1x16xf32> to vector<16xf32>
          %add3A_306 = arith.addf %scan3A_284, %get3A_305 : vector<16xf32>
          %scan3A_307 = arith.constant 1 : i32
          %scan3A_308 = arith.addi %scan3A_280, %scan3A_307 : i32
          %mul3A_309 = arith.constant 50 : i32
          %mul3A_310 = arith.muli %scan3A_253, %mul3A_309 : i32
          %add3A_311 = arith.addi %mul3A_310, %scan3A_308 : i32
          %get3A_312 = arith.index_cast %add3A_311 : i32 to index
          %get3A_313 = arith.constant 0 : index
          %get3A_314 = tpu.vector_load %arg8[%get3A_312, %get3A_313] {strides = array<i32>} : memref<800x64xf32, #tpu.memory_space<vmem>>, vector<1x16xf32>,
          %get3A_315 = vector.shape_cast %get3A_314 : vector<1x16xf32> to vector<16xf32>
          %add3A_316 = arith.addf %add3A_291, %get3A_315 : vector<16xf32>
          %get3A_317 = arith.index_cast %add3A_311 : i32 to index
          %get3A_318 = arith.constant 16 : index
          %get3A_319 = tpu.vector_load %arg8[%get3A_317, %get3A_318] {strides = array<i32>} : memref<800x64xf32, #tpu.memory_space<vmem>>, vector<1x16xf32>,
          %get3A_320 = vector.shape_cast %get3A_319 : vector<1x16xf32> to vector<16xf32>
          %add3A_321 = arith.addf %add3A_296, %get3A_320 : vector<16xf32>
          %get3A_322 = arith.index_cast %add3A_311 : i32 to index
          %get3A_323 = arith.constant 32 : index
          %get3A_324 = tpu.vector_load %arg8[%get3A_322, %get3A_323] {strides = array<i32>} : memref<800x64xf32, #tpu.memory_space<vmem>>, vector<1x16xf32>,
          %get3A_325 = vector.shape_cast %get3A_324 : vector<1x16xf32> to vector<16xf32>
          %add3A_326 = arith.addf %add3A_301, %get3A_325 : vector<16xf32>
          %get3A_327 = arith.index_cast %add3A_311 : i32 to index
          %get3A_328 = arith.constant 48 : index
          %get3A_329 = tpu.vector_load %arg8[%get3A_327, %get3A_328] {strides = array<i32>} : memref<800x64xf32, #tpu.memory_space<vmem>>, vector<1x16xf32>,
          %get3A_330 = vector.shape_cast %get3A_329 : vector<1x16xf32> to vector<16xf32>
          %add3A_331 = arith.addf %add3A_306, %get3A_330 : vector<16xf32>
          %scan3A_332 = arith.constant 2 : i32
          %scan3A_333 = arith.addi %scan3A_280, %scan3A_332 : i32
          %mul3A_334 = arith.constant 50 : i32
          %mul3A_335 = arith.muli %scan3A_253, %mul3A_334 : i32
          %add3A_336 = arith.addi %mul3A_335, %scan3A_333 : i32
          %get3A_337 = arith.index_cast %add3A_336 : i32 to index
          %get3A_338 = arith.constant 0 : index
          %get3A_339 = tpu.vector_load %arg8[%get3A_337, %get3A_338] {strides = array<i32>} : memref<800x64xf32, #tpu.memory_space<vmem>>, vector<1x16xf32>,
          %get3A_340 = vector.shape_cast %get3A_339 : vector<1x16xf32> to vector<16xf32>
          %add3A_341 = arith.addf %add3A_316, %get3A_340 : vector<16xf32>
          %get3A_342 = arith.index_cast %add3A_336 : i32 to index
          %get3A_343 = arith.constant 16 : index
          %get3A_344 = tpu.vector_load %arg8[%get3A_342, %get3A_343] {strides = array<i32>} : memref<800x64xf32, #tpu.memory_space<vmem>>, vector<1x16xf32>,
          %get3A_345 = vector.shape_cast %get3A_344 : vector<1x16xf32> to vector<16xf32>
          %add3A_346 = arith.addf %add3A_321, %get3A_345 : vector<16xf32>
          %get3A_347 = arith.index_cast %add3A_336 : i32 to index
          %get3A_348 = arith.constant 32 : index
          %get3A_349 = tpu.vector_load %arg8[%get3A_347, %get3A_348] {strides = array<i32>} : memref<800x64xf32, #tpu.memory_space<vmem>>, vector<1x16xf32>,
          %get3A_350 = vector.shape_cast %get3A_349 : vector<1x16xf32> to vector<16xf32>
          %add3A_351 = arith.addf %add3A_326, %get3A_350 : vector<16xf32>
          %get3A_352 = arith.index_cast %add3A_336 : i32 to index
          %get3A_353 = arith.constant 48 : index
          %get3A_354 = tpu.vector_load %arg8[%get3A_352, %get3A_353] {strides = array<i32>} : memref<800x64xf32, #tpu.memory_space<vmem>>, vector<1x16xf32>,
          %get3A_355 = vector.shape_cast %get3A_354 : vector<1x16xf32> to vector<16xf32>
          %add3A_356 = arith.addf %add3A_331, %get3A_355 : vector<16xf32>
          %scan3A_357 = arith.constant 3 : i32
          %scan3A_358 = arith.addi %scan3A_280, %scan3A_357 : i32
          %mul3A_359 = arith.constant 50 : i32
          %mul3A_360 = arith.muli %scan3A_253, %mul3A_359 : i32
          %add3A_361 = arith.addi %mul3A_360, %scan3A_358 : i32
          %get3A_362 = arith.index_cast %add3A_361 : i32 to index
          %get3A_363 = arith.constant 0 : index
          %get3A_364 = tpu.vector_load %arg8[%get3A_362, %get3A_363] {strides = array<i32>} : memref<800x64xf32, #tpu.memory_space<vmem>>, vector<1x16xf32>,
          %get3A_365 = vector.shape_cast %get3A_364 : vector<1x16xf32> to vector<16xf32>
          %add3A_366 = arith.addf %add3A_341, %get3A_365 : vector<16xf32>
          %get3A_367 = arith.index_cast %add3A_361 : i32 to index
          %get3A_368 = arith.constant 16 : index
          %get3A_369 = tpu.vector_load %arg8[%get3A_367, %get3A_368] {strides = array<i32>} : memref<800x64xf32, #tpu.memory_space<vmem>>, vector<1x16xf32>,
          %get3A_370 = vector.shape_cast %get3A_369 : vector<1x16xf32> to vector<16xf32>
          %add3A_371 = arith.addf %add3A_346, %get3A_370 : vector<16xf32>
          %get3A_372 = arith.index_cast %add3A_361 : i32 to index
          %get3A_373 = arith.constant 32 : index
          %get3A_374 = tpu.vector_load %arg8[%get3A_372, %get3A_373] {strides = array<i32>} : memref<800x64xf32, #tpu.memory_space<vmem>>, vector<1x16xf32>,
          %get3A_375 = vector.shape_cast %get3A_374 : vector<1x16xf32> to vector<16xf32>
          %add3A_376 = arith.addf %add3A_351, %get3A_375 : vector<16xf32>
          %get3A_377 = arith.index_cast %add3A_361 : i32 to index
          %get3A_378 = arith.constant 48 : index
          %get3A_379 = tpu.vector_load %arg8[%get3A_377, %get3A_378] {strides = array<i32>} : memref<800x64xf32, #tpu.memory_space<vmem>>, vector<1x16xf32>,
          %get3A_380 = vector.shape_cast %get3A_379 : vector<1x16xf32> to vector<16xf32>
          %add3A_381 = arith.addf %add3A_356, %get3A_380 : vector<16xf32>
          %scan3A_382 = arith.constant 4 : i32
          %scan3A_383 = arith.addi %scan3A_280, %scan3A_382 : i32
          %mul3A_384 = arith.constant 50 : i32
          %mul3A_385 = arith.muli %scan3A_253, %mul3A_384 : i32
          %add3A_386 = arith.addi %mul3A_385, %scan3A_383 : i32
          %get3A_387 = arith.index_cast %add3A_386 : i32 to index
          %get3A_388 = arith.constant 0 : index
          %get3A_389 = tpu.vector_load %arg8[%get3A_387, %get3A_388] {strides = array<i32>} : memref<800x64xf32, #tpu.memory_space<vmem>>, vector<1x16xf32>,
          %get3A_390 = vector.shape_cast %get3A_389 : vector<1x16xf32> to vector<16xf32>
          %add3A_391 = arith.addf %add3A_366, %get3A_390 : vector<16xf32>
          %get3A_392 = arith.index_cast %add3A_386 : i32 to index
          %get3A_393 = arith.constant 16 : index
          %get3A_394 = tpu.vector_load %arg8[%get3A_392, %get3A_393] {strides = array<i32>} : memref<800x64xf32, #tpu.memory_space<vmem>>, vector<1x16xf32>,
          %get3A_395 = vector.shape_cast %get3A_394 : vector<1x16xf32> to vector<16xf32>
          %add3A_396 = arith.addf %add3A_371, %get3A_395 : vector<16xf32>
          %get3A_397 = arith.index_cast %add3A_386 : i32 to index
          %get3A_398 = arith.constant 32 : index
          %get3A_399 = tpu.vector_load %arg8[%get3A_397, %get3A_398] {strides = array<i32>} : memref<800x64xf32, #tpu.memory_space<vmem>>, vector<1x16xf32>,
          %get3A_400 = vector.shape_cast %get3A_399 : vector<1x16xf32> to vector<16xf32>
          %add3A_401 = arith.addf %add3A_376, %get3A_400 : vector<16xf32>
          %get3A_402 = arith.index_cast %add3A_386 : i32 to index
          %get3A_403 = arith.constant 48 : index
          %get3A_404 = tpu.vector_load %arg8[%get3A_402, %get3A_403] {strides = array<i32>} : memref<800x64xf32, #tpu.memory_space<vmem>>, vector<1x16xf32>,
          %get3A_405 = vector.shape_cast %get3A_404 : vector<1x16xf32> to vector<16xf32>
          %add3A_406 = arith.addf %add3A_381, %get3A_405 : vector<16xf32>
          %scan3A_407 = arith.constant 5 : i32
          %scan3A_408 = arith.addi %scan3A_280, %scan3A_407 : i32
          %mul3A_409 = arith.constant 50 : i32
          %mul3A_410 = arith.muli %scan3A_253, %mul3A_409 : i32
          %add3A_411 = arith.addi %mul3A_410, %scan3A_408 : i32
          %get3A_412 = arith.index_cast %add3A_411 : i32 to index
          %get3A_413 = arith.constant 0 : index
          %get3A_414 = tpu.vector_load %arg8[%get3A_412, %get3A_413] {strides = array<i32>} : memref<800x64xf32, #tpu.memory_space<vmem>>, vector<1x16xf32>,
          %get3A_415 = vector.shape_cast %get3A_414 : vector<1x16xf32> to vector<16xf32>
          %add3A_416 = arith.addf %add3A_391, %get3A_415 : vector<16xf32>
          %get3A_417 = arith.index_cast %add3A_411 : i32 to index
          %get3A_418 = arith.constant 16 : index
          %get3A_419 = tpu.vector_load %arg8[%get3A_417, %get3A_418] {strides = array<i32>} : memref<800x64xf32, #tpu.memory_space<vmem>>, vector<1x16xf32>,
          %get3A_420 = vector.shape_cast %get3A_419 : vector<1x16xf32> to vector<16xf32>
          %add3A_421 = arith.addf %add3A_396, %get3A_420 : vector<16xf32>
          %get3A_422 = arith.index_cast %add3A_411 : i32 to index
          %get3A_423 = arith.constant 32 : index
          %get3A_424 = tpu.vector_load %arg8[%get3A_422, %get3A_423] {strides = array<i32>} : memref<800x64xf32, #tpu.memory_space<vmem>>, vector<1x16xf32>,
          %get3A_425 = vector.shape_cast %get3A_424 : vector<1x16xf32> to vector<16xf32>
          %add3A_426 = arith.addf %add3A_401, %get3A_425 : vector<16xf32>
          %get3A_427 = arith.index_cast %add3A_411 : i32 to index
          %get3A_428 = arith.constant 48 : index
          %get3A_429 = tpu.vector_load %arg8[%get3A_427, %get3A_428] {strides = array<i32>} : memref<800x64xf32, #tpu.memory_space<vmem>>, vector<1x16xf32>,
          %get3A_430 = vector.shape_cast %get3A_429 : vector<1x16xf32> to vector<16xf32>
          %add3A_431 = arith.addf %add3A_406, %get3A_430 : vector<16xf32>
          %scan3A_432 = arith.constant 6 : i32
          %scan3A_433 = arith.addi %scan3A_280, %scan3A_432 : i32
          %mul3A_434 = arith.constant 50 : i32
          %mul3A_435 = arith.muli %scan3A_253, %mul3A_434 : i32
          %add3A_436 = arith.addi %mul3A_435, %scan3A_433 : i32
          %get3A_437 = arith.index_cast %add3A_436 : i32 to index
          %get3A_438 = arith.constant 0 : index
          %get3A_439 = tpu.vector_load %arg8[%get3A_437, %get3A_438] {strides = array<i32>} : memref<800x64xf32, #tpu.memory_space<vmem>>, vector<1x16xf32>,
          %get3A_440 = vector.shape_cast %get3A_439 : vector<1x16xf32> to vector<16xf32>
          %add3A_441 = arith.addf %add3A_416, %get3A_440 : vector<16xf32>
          %get3A_442 = arith.index_cast %add3A_436 : i32 to index
          %get3A_443 = arith.constant 16 : index
          %get3A_444 = tpu.vector_load %arg8[%get3A_442, %get3A_443] {strides = array<i32>} : memref<800x64xf32, #tpu.memory_space<vmem>>, vector<1x16xf32>,
          %get3A_445 = vector.shape_cast %get3A_444 : vector<1x16xf32> to vector<16xf32>
          %add3A_446 = arith.addf %add3A_421, %get3A_445 : vector<16xf32>
          %get3A_447 = arith.index_cast %add3A_436 : i32 to index
          %get3A_448 = arith.constant 32 : index
          %get3A_449 = tpu.vector_load %arg8[%get3A_447, %get3A_448] {strides = array<i32>} : memref<800x64xf32, #tpu.memory_space<vmem>>, vector<1x16xf32>,
          %get3A_450 = vector.shape_cast %get3A_449 : vector<1x16xf32> to vector<16xf32>
          %add3A_451 = arith.addf %add3A_426, %get3A_450 : vector<16xf32>
          %get3A_452 = arith.index_cast %add3A_436 : i32 to index
          %get3A_453 = arith.constant 48 : index
          %get3A_454 = tpu.vector_load %arg8[%get3A_452, %get3A_453] {strides = array<i32>} : memref<800x64xf32, #tpu.memory_space<vmem>>, vector<1x16xf32>,
          %get3A_455 = vector.shape_cast %get3A_454 : vector<1x16xf32> to vector<16xf32>
          %add3A_456 = arith.addf %add3A_431, %get3A_455 : vector<16xf32>
          %scan3A_457 = arith.constant 7 : i32
          %scan3A_458 = arith.addi %scan3A_280, %scan3A_457 : i32
          %mul3A_459 = arith.constant 50 : i32
          %mul3A_460 = arith.muli %scan3A_253, %mul3A_459 : i32
          %add3A_461 = arith.addi %mul3A_460, %scan3A_458 : i32
          %get3A_462 = arith.index_cast %add3A_461 : i32 to index
          %get3A_463 = arith.constant 0 : index
          %get3A_464 = tpu.vector_load %arg8[%get3A_462, %get3A_463] {strides = array<i32>} : memref<800x64xf32, #tpu.memory_space<vmem>>, vector<1x16xf32>,
          %get3A_465 = vector.shape_cast %get3A_464 : vector<1x16xf32> to vector<16xf32>
          %add3A_466 = arith.addf %add3A_441, %get3A_465 : vector<16xf32>
          %get3A_467 = arith.index_cast %add3A_461 : i32 to index
          %get3A_468 = arith.constant 16 : index
          %get3A_469 = tpu.vector_load %arg8[%get3A_467, %get3A_468] {strides = array<i32>} : memref<800x64xf32, #tpu.memory_space<vmem>>, vector<1x16xf32>,
          %get3A_470 = vector.shape_cast %get3A_469 : vector<1x16xf32> to vector<16xf32>
          %add3A_471 = arith.addf %add3A_446, %get3A_470 : vector<16xf32>
          %get3A_472 = arith.index_cast %add3A_461 : i32 to index
          %get3A_473 = arith.constant 32 : index
          %get3A_474 = tpu.vector_load %arg8[%get3A_472, %get3A_473] {strides = array<i32>} : memref<800x64xf32, #tpu.memory_space<vmem>>, vector<1x16xf32>,
          %get3A_475 = vector.shape_cast %get3A_474 : vector<1x16xf32> to vector<16xf32>
          %add3A_476 = arith.addf %add3A_451, %get3A_475 : vector<16xf32>
          %get3A_477 = arith.index_cast %add3A_461 : i32 to index
          %get3A_478 = arith.constant 48 : index
          %get3A_479 = tpu.vector_load %arg8[%get3A_477, %get3A_478] {strides = array<i32>} : memref<800x64xf32, #tpu.memory_space<vmem>>, vector<1x16xf32>,
          %get3A_480 = vector.shape_cast %get3A_479 : vector<1x16xf32> to vector<16xf32>
          %add3A_481 = arith.addf %add3A_456, %get3A_480 : vector<16xf32>
          %scan3A_482 = arith.constant 8 : i32
          %scan3A_483 = arith.addi %scan3A_280, %scan3A_482 : i32
          %mul3A_484 = arith.constant 50 : i32
          %mul3A_485 = arith.muli %scan3A_253, %mul3A_484 : i32
          %add3A_486 = arith.addi %mul3A_485, %scan3A_483 : i32
          %get3A_487 = arith.index_cast %add3A_486 : i32 to index
          %get3A_488 = arith.constant 0 : index
          %get3A_489 = tpu.vector_load %arg8[%get3A_487, %get3A_488] {strides = array<i32>} : memref<800x64xf32, #tpu.memory_space<vmem>>, vector<1x16xf32>,
          %get3A_490 = vector.shape_cast %get3A_489 : vector<1x16xf32> to vector<16xf32>
          %add3A_491 = arith.addf %add3A_466, %get3A_490 : vector<16xf32>
          %get3A_492 = arith.index_cast %add3A_486 : i32 to index
          %get3A_493 = arith.constant 16 : index
          %get3A_494 = tpu.vector_load %arg8[%get3A_492, %get3A_493] {strides = array<i32>} : memref<800x64xf32, #tpu.memory_space<vmem>>, vector<1x16xf32>,
          %get3A_495 = vector.shape_cast %get3A_494 : vector<1x16xf32> to vector<16xf32>
          %add3A_496 = arith.addf %add3A_471, %get3A_495 : vector<16xf32>
          %get3A_497 = arith.index_cast %add3A_486 : i32 to index
          %get3A_498 = arith.constant 32 : index
          %get3A_499 = tpu.vector_load %arg8[%get3A_497, %get3A_498] {strides = array<i32>} : memref<800x64xf32, #tpu.memory_space<vmem>>, vector<1x16xf32>,
          %get3A_500 = vector.shape_cast %get3A_499 : vector<1x16xf32> to vector<16xf32>
          %add3A_501 = arith.addf %add3A_476, %get3A_500 : vector<16xf32>
          %get3A_502 = arith.index_cast %add3A_486 : i32 to index
          %get3A_503 = arith.constant 48 : index
          %get3A_504 = tpu.vector_load %arg8[%get3A_502, %get3A_503] {strides = array<i32>} : memref<800x64xf32, #tpu.memory_space<vmem>>, vector<1x16xf32>,
          %get3A_505 = vector.shape_cast %get3A_504 : vector<1x16xf32> to vector<16xf32>
          %add3A_506 = arith.addf %add3A_481, %get3A_505 : vector<16xf32>
          %scan3A_507 = arith.constant 9 : i32
          %scan3A_508 = arith.addi %scan3A_280, %scan3A_507 : i32
          %mul3A_509 = arith.constant 50 : i32
          %mul3A_510 = arith.muli %scan3A_253, %mul3A_509 : i32
          %add3A_511 = arith.addi %mul3A_510, %scan3A_508 : i32
          %get3A_512 = arith.index_cast %add3A_511 : i32 to index
          %get3A_513 = arith.constant 0 : index
          %get3A_514 = tpu.vector_load %arg8[%get3A_512, %get3A_513] {strides = array<i32>} : memref<800x64xf32, #tpu.memory_space<vmem>>, vector<1x16xf32>,
          %get3A_515 = vector.shape_cast %get3A_514 : vector<1x16xf32> to vector<16xf32>
          %add3A_516 = arith.addf %add3A_491, %get3A_515 : vector<16xf32>
          %get3A_517 = arith.index_cast %add3A_511 : i32 to index
          %get3A_518 = arith.constant 16 : index
          %get3A_519 = tpu.vector_load %arg8[%get3A_517, %get3A_518] {strides = array<i32>} : memref<800x64xf32, #tpu.memory_space<vmem>>, vector<1x16xf32>,
          %get3A_520 = vector.shape_cast %get3A_519 : vector<1x16xf32> to vector<16xf32>
          %add3A_521 = arith.addf %add3A_496, %get3A_520 : vector<16xf32>
          %get3A_522 = arith.index_cast %add3A_511 : i32 to index
          %get3A_523 = arith.constant 32 : index
          %get3A_524 = tpu.vector_load %arg8[%get3A_522, %get3A_523] {strides = array<i32>} : memref<800x64xf32, #tpu.memory_space<vmem>>, vector<1x16xf32>,
          %get3A_525 = vector.shape_cast %get3A_524 : vector<1x16xf32> to vector<16xf32>
          %add3A_526 = arith.addf %add3A_501, %get3A_525 : vector<16xf32>
          %get3A_527 = arith.index_cast %add3A_511 : i32 to index
          %get3A_528 = arith.constant 48 : index
          %get3A_529 = tpu.vector_load %arg8[%get3A_527, %get3A_528] {strides = array<i32>} : memref<800x64xf32, #tpu.memory_space<vmem>>, vector<1x16xf32>,
          %get3A_530 = vector.shape_cast %get3A_529 : vector<1x16xf32> to vector<16xf32>
          %add3A_531 = arith.addf %add3A_506, %get3A_530 : vector<16xf32>
          scf.yield %add3A_516, %add3A_521, %add3A_526, %add3A_531 : vector<16xf32>, vector<16xf32>, vector<16xf32>, vector<16xf32>
        }
        %scan3A_260 = arith.constant 50 : i32
        %swap3A = arith.index_cast %scan3A_253 : i32 to index
        %swap3A_261 = arith.constant 0 : index
        %swap3A_262 = tpu.vector_load %arg10[%swap3A, %swap3A_261] {strides = array<i32>} : memref<16x64xf32, #tpu.memory_space<vmem>>, vector<1x16xf32>,
        %swap3A_263 = vector.shape_cast %swap3A_262 : vector<1x16xf32> to vector<16xf32>
        %swap3A_264 = vector.shape_cast %scan3A_259#0 : vector<16xf32> to vector<1x16xf32>
        tpu.vector_store %arg10[%swap3A, %swap3A_261], %swap3A_264 {strides = array<i32>} : memref<16x64xf32, #tpu.memory_space<vmem>>, vector<1x16xf32>,
        %swap3A_265 = arith.index_cast %scan3A_253 : i32 to index
        %swap3A_266 = arith.constant 16 : index
        %swap3A_267 = tpu.vector_load %arg10[%swap3A_265, %swap3A_266] {strides = array<i32>} : memref<16x64xf32, #tpu.memory_space<vmem>>, vector<1x16xf32>,
        %swap3A_268 = vector.shape_cast %swap3A_267 : vector<1x16xf32> to vector<16xf32>
        %swap3A_269 = vector.shape_cast %scan3A_259#1 : vector<16xf32> to vector<1x16xf32>
        tpu.vector_store %arg10[%swap3A_265, %swap3A_266], %swap3A_269 {strides = array<i32>} : memref<16x64xf32, #tpu.memory_space<vmem>>, vector<1x16xf32>,
        %swap3A_270 = arith.index_cast %scan3A_253 : i32 to index
        %swap3A_271 = arith.constant 32 : index
        %swap3A_272 = tpu.vector_load %arg10[%swap3A_270, %swap3A_271] {strides = array<i32>} : memref<16x64xf32, #tpu.memory_space<vmem>>, vector<1x16xf32>,
        %swap3A_273 = vector.shape_cast %swap3A_272 : vector<1x16xf32> to vector<16xf32>
        %swap3A_274 = vector.shape_cast %scan3A_259#2 : vector<16xf32> to vector<1x16xf32>
        tpu.vector_store %arg10[%swap3A_270, %swap3A_271], %swap3A_274 {strides = array<i32>} : memref<16x64xf32, #tpu.memory_space<vmem>>, vector<1x16xf32>,
        %swap3A_275 = arith.index_cast %scan3A_253 : i32 to index
        %swap3A_276 = arith.constant 48 : index
        %swap3A_277 = tpu.vector_load %arg10[%swap3A_275, %swap3A_276] {strides = array<i32>} : memref<16x64xf32, #tpu.memory_space<vmem>>, vector<1x16xf32>,
        %swap3A_278 = vector.shape_cast %swap3A_277 : vector<1x16xf32> to vector<16xf32>
        %swap3A_279 = vector.shape_cast %scan3A_259#3 : vector<16xf32> to vector<1x16xf32>
        tpu.vector_store %arg10[%swap3A_275, %swap3A_276], %swap3A_279 {strides = array<i32>} : memref<16x64xf32, #tpu.memory_space<vmem>>, vector<1x16xf32>,
      }
      %scan3A_238 = arith.constant 16 : i32
      %mul3A_239 = arith.constant 16 : i32
      %mul3A_240 = arith.muli %add3A_221, %mul3A_239 : i32
      %add3A_241 = arith.addi %mul3A_2, %mul3A_240 : i32
      %dma_start3A_242 = arith.constant 0 : i32
      %dma_start3A_243 = tpu.memref_slice %arg4[%add3A_241, %dma_start3A_242] : memref<16384x64xf32, #tpu.memory_space<hbm>> -> memref<16x64xf32, #tpu.memory_space<hbm>>
      %dma_start3A_244 = arith.constant 0 : i32
      %dma_start3A_245 = tpu.memref_slice %arg4[%add3A_241, %dma_start3A_244] : memref<16384x64xf32, #tpu.memory_space<hbm>> -> memref<16x64xf32, #tpu.memory_space<hbm>>
      tpu.enqueue_dma source(%arg10 : memref<16x64xf32, #tpu.memory_space<vmem>>) target(%dma_start3A_245 : memref<16x64xf32, #tpu.memory_space<hbm>>) target_semaphore(%arg14 : memref<!tpu.dma_semaphore, #tpu.memory_space<semaphore_mem>>)
      %add3A_246 = arith.constant 2 : i32
      %add3A_247 = arith.addi %add3A_221, %add3A_246 : i32
      %lt3A_248 = arith.constant 32 : i32
      %lt3A_249 = arith.cmpi slt, %add3A_247, %lt3A_248 : i32
      %convert_element_type3A_250 = arith.extui %lt3A_249 : i1 to i32
      %cond3A_251 = arith.constant 0 : i32
      %cond3A_252 = arith.cmpi ne, %convert_element_type3A_250, %cond3A_251 : i32
      scf.if %cond3A_252 {
        %add3A_253 = arith.constant 2 : i32
        %add3A_254 = arith.addi %add3A_221, %add3A_253 : i32
        %mul3A_255 = arith.constant 16 : i32
        %mul3A_256 = arith.muli %add3A_254, %mul3A_255 : i32
        %add3A_257 = arith.addi %mul3A_2, %mul3A_256 : i32
        %mul3A_258 = arith.constant 50 : i32
        %mul3A_259 = arith.muli %add3A_257, %mul3A_258 : i32
        "tpu.region"() ({
          %run_scoped3A = tpu.sem_alloc : memref<!tpu.dma_semaphore, #tpu.memory_space<semaphore_mem>>
          %dma_start3A_340 = tpu.memref_slice %arg2[%mul3A_259] : memref<819200xi32, #tpu.memory_space<hbm>> -> memref<800xi32, #tpu.memory_space<hbm>>
          %dma_start3A_341 = tpu.memref_slice %arg2[%mul3A_259] : memref<819200xi32, #tpu.memory_space<hbm>> -> memref<800xi32, #tpu.memory_space<hbm>>
          tpu.enqueue_dma source(%dma_start3A_341 : memref<800xi32, #tpu.memory_space<hbm>>) target(%arg6 : memref<800xi32, #tpu.memory_space<vmem>>) target_semaphore(%run_scoped3A : memref<!tpu.dma_semaphore, #tpu.memory_space<semaphore_mem>>)
          %dma_wait3A_342 = tpu.memref_slice %arg2[%mul3A_259] : memref<819200xi32, #tpu.memory_space<hbm>> -> memref<800xi32, #tpu.memory_space<hbm>>
          %dma_wait3A_343 = tpu.memref_slice %arg2[%mul3A_259] : memref<819200xi32, #tpu.memory_space<hbm>> -> memref<800xi32, #tpu.memory_space<hbm>>
          tpu.wait_dma2 semaphore(%run_scoped3A : memref<!tpu.dma_semaphore, #tpu.memory_space<semaphore_mem>>) src(%dma_wait3A_343 : memref<800xi32, #tpu.memory_space<hbm>>) dst(%arg6 : memref<800xi32, #tpu.memory_space<vmem>>)
          tpu.yield
        }) : () -> ()
        %dma_start3A_260 = arith.constant 0 : i32
        %dma_start3A_261 = arith.constant 0 : i32
        %dma_start3A_262 = tpu.memref_slice %arg8[%dma_start3A_260, %dma_start3A_261] : memref<800x64xf32, #tpu.memory_space<vmem>> -> memref<80x64xf32, #tpu.memory_space<vmem>>
        %dma_start3A_263 = arith.constant 0 : i32
        %dma_start3A_264 = tpu.memref_slice %arg6[%dma_start3A_263] : memref<800xi32, #tpu.memory_space<vmem>> -> memref<80xi32, #tpu.memory_space<vmem>>
        %dma_start3A_265 = arith.constant 0 : i32
        %dma_start3A_266 = arith.constant 0 : i32
        %dma_start3A_267 = tpu.memref_slice %arg3[%dma_start3A_265, %dma_start3A_266] : memref<100000x64xf32, #tpu.memory_space<hbm>> -> memref<100000x64xf32, #tpu.memory_space<hbm>>
        tpu.enqueue_indirect_dma source(%dma_start3A_267 : memref<100000x64xf32, #tpu.memory_space<hbm>>) target(%dma_start3A_262 : memref<80x64xf32, #tpu.memory_space<vmem>>) offsets(%dma_start3A_264 : memref<80xi32, #tpu.memory_space<vmem>>) semaphore(%arg12 : memref<!tpu.dma_semaphore, #tpu.memory_space<semaphore_mem>>)
        %dma_start3A_268 = arith.constant 80 : i32
        %dma_start3A_269 = arith.constant 0 : i32
        %dma_start3A_270 = tpu.memref_slice %arg8[%dma_start3A_268, %dma_start3A_269] : memref<800x64xf32, #tpu.memory_space<vmem>> -> memref<80x64xf32, #tpu.memory_space<vmem>>
        %dma_start3A_271 = arith.constant 80 : i32
        %dma_start3A_272 = tpu.memref_slice %arg6[%dma_start3A_271] : memref<800xi32, #tpu.memory_space<vmem>> -> memref<80xi32, #tpu.memory_space<vmem>>
        %dma_start3A_273 = arith.constant 0 : i32
        %dma_start3A_274 = arith.constant 0 : i32
        %dma_start3A_275 = tpu.memref_slice %arg3[%dma_start3A_273, %dma_start3A_274] : memref<100000x64xf32, #tpu.memory_space<hbm>> -> memref<100000x64xf32, #tpu.memory_space<hbm>>
        tpu.enqueue_indirect_dma source(%dma_start3A_275 : memref<100000x64xf32, #tpu.memory_space<hbm>>) target(%dma_start3A_270 : memref<80x64xf32, #tpu.memory_space<vmem>>) offsets(%dma_start3A_272 : memref<80xi32, #tpu.memory_space<vmem>>) semaphore(%arg12 : memref<!tpu.dma_semaphore, #tpu.memory_space<semaphore_mem>>)
        %dma_start3A_276 = arith.constant 160 : i32
        %dma_start3A_277 = arith.constant 0 : i32
        %dma_start3A_278 = tpu.memref_slice %arg8[%dma_start3A_276, %dma_start3A_277] : memref<800x64xf32, #tpu.memory_space<vmem>> -> memref<80x64xf32, #tpu.memory_space<vmem>>
        %dma_start3A_279 = arith.constant 160 : i32
        %dma_start3A_280 = tpu.memref_slice %arg6[%dma_start3A_279] : memref<800xi32, #tpu.memory_space<vmem>> -> memref<80xi32, #tpu.memory_space<vmem>>
        %dma_start3A_281 = arith.constant 0 : i32
        %dma_start3A_282 = arith.constant 0 : i32
        %dma_start3A_283 = tpu.memref_slice %arg3[%dma_start3A_281, %dma_start3A_282] : memref<100000x64xf32, #tpu.memory_space<hbm>> -> memref<100000x64xf32, #tpu.memory_space<hbm>>
        tpu.enqueue_indirect_dma source(%dma_start3A_283 : memref<100000x64xf32, #tpu.memory_space<hbm>>) target(%dma_start3A_278 : memref<80x64xf32, #tpu.memory_space<vmem>>) offsets(%dma_start3A_280 : memref<80xi32, #tpu.memory_space<vmem>>) semaphore(%arg12 : memref<!tpu.dma_semaphore, #tpu.memory_space<semaphore_mem>>)
        %dma_start3A_284 = arith.constant 240 : i32
        %dma_start3A_285 = arith.constant 0 : i32
        %dma_start3A_286 = tpu.memref_slice %arg8[%dma_start3A_284, %dma_start3A_285] : memref<800x64xf32, #tpu.memory_space<vmem>> -> memref<80x64xf32, #tpu.memory_space<vmem>>
        %dma_start3A_287 = arith.constant 240 : i32
        %dma_start3A_288 = tpu.memref_slice %arg6[%dma_start3A_287] : memref<800xi32, #tpu.memory_space<vmem>> -> memref<80xi32, #tpu.memory_space<vmem>>
        %dma_start3A_289 = arith.constant 0 : i32
        %dma_start3A_290 = arith.constant 0 : i32
        %dma_start3A_291 = tpu.memref_slice %arg3[%dma_start3A_289, %dma_start3A_290] : memref<100000x64xf32, #tpu.memory_space<hbm>> -> memref<100000x64xf32, #tpu.memory_space<hbm>>
        tpu.enqueue_indirect_dma source(%dma_start3A_291 : memref<100000x64xf32, #tpu.memory_space<hbm>>) target(%dma_start3A_286 : memref<80x64xf32, #tpu.memory_space<vmem>>) offsets(%dma_start3A_288 : memref<80xi32, #tpu.memory_space<vmem>>) semaphore(%arg12 : memref<!tpu.dma_semaphore, #tpu.memory_space<semaphore_mem>>)
        %dma_start3A_292 = arith.constant 320 : i32
        %dma_start3A_293 = arith.constant 0 : i32
        %dma_start3A_294 = tpu.memref_slice %arg8[%dma_start3A_292, %dma_start3A_293] : memref<800x64xf32, #tpu.memory_space<vmem>> -> memref<80x64xf32, #tpu.memory_space<vmem>>
        %dma_start3A_295 = arith.constant 320 : i32
        %dma_start3A_296 = tpu.memref_slice %arg6[%dma_start3A_295] : memref<800xi32, #tpu.memory_space<vmem>> -> memref<80xi32, #tpu.memory_space<vmem>>
        %dma_start3A_297 = arith.constant 0 : i32
        %dma_start3A_298 = arith.constant 0 : i32
        %dma_start3A_299 = tpu.memref_slice %arg3[%dma_start3A_297, %dma_start3A_298] : memref<100000x64xf32, #tpu.memory_space<hbm>> -> memref<100000x64xf32, #tpu.memory_space<hbm>>
        tpu.enqueue_indirect_dma source(%dma_start3A_299 : memref<100000x64xf32, #tpu.memory_space<hbm>>) target(%dma_start3A_294 : memref<80x64xf32, #tpu.memory_space<vmem>>) offsets(%dma_start3A_296 : memref<80xi32, #tpu.memory_space<vmem>>) semaphore(%arg12 : memref<!tpu.dma_semaphore, #tpu.memory_space<semaphore_mem>>)
        %dma_start3A_300 = arith.constant 400 : i32
        %dma_start3A_301 = arith.constant 0 : i32
        %dma_start3A_302 = tpu.memref_slice %arg8[%dma_start3A_300, %dma_start3A_301] : memref<800x64xf32, #tpu.memory_space<vmem>> -> memref<80x64xf32, #tpu.memory_space<vmem>>
        %dma_start3A_303 = arith.constant 400 : i32
        %dma_start3A_304 = tpu.memref_slice %arg6[%dma_start3A_303] : memref<800xi32, #tpu.memory_space<vmem>> -> memref<80xi32, #tpu.memory_space<vmem>>
        %dma_start3A_305 = arith.constant 0 : i32
        %dma_start3A_306 = arith.constant 0 : i32
        %dma_start3A_307 = tpu.memref_slice %arg3[%dma_start3A_305, %dma_start3A_306] : memref<100000x64xf32, #tpu.memory_space<hbm>> -> memref<100000x64xf32, #tpu.memory_space<hbm>>
        tpu.enqueue_indirect_dma source(%dma_start3A_307 : memref<100000x64xf32, #tpu.memory_space<hbm>>) target(%dma_start3A_302 : memref<80x64xf32, #tpu.memory_space<vmem>>) offsets(%dma_start3A_304 : memref<80xi32, #tpu.memory_space<vmem>>) semaphore(%arg12 : memref<!tpu.dma_semaphore, #tpu.memory_space<semaphore_mem>>)
        %dma_start3A_308 = arith.constant 480 : i32
        %dma_start3A_309 = arith.constant 0 : i32
        %dma_start3A_310 = tpu.memref_slice %arg8[%dma_start3A_308, %dma_start3A_309] : memref<800x64xf32, #tpu.memory_space<vmem>> -> memref<80x64xf32, #tpu.memory_space<vmem>>
        %dma_start3A_311 = arith.constant 480 : i32
        %dma_start3A_312 = tpu.memref_slice %arg6[%dma_start3A_311] : memref<800xi32, #tpu.memory_space<vmem>> -> memref<80xi32, #tpu.memory_space<vmem>>
        %dma_start3A_313 = arith.constant 0 : i32
        %dma_start3A_314 = arith.constant 0 : i32
        %dma_start3A_315 = tpu.memref_slice %arg3[%dma_start3A_313, %dma_start3A_314] : memref<100000x64xf32, #tpu.memory_space<hbm>> -> memref<100000x64xf32, #tpu.memory_space<hbm>>
        tpu.enqueue_indirect_dma source(%dma_start3A_315 : memref<100000x64xf32, #tpu.memory_space<hbm>>) target(%dma_start3A_310 : memref<80x64xf32, #tpu.memory_space<vmem>>) offsets(%dma_start3A_312 : memref<80xi32, #tpu.memory_space<vmem>>) semaphore(%arg12 : memref<!tpu.dma_semaphore, #tpu.memory_space<semaphore_mem>>)
        %dma_start3A_316 = arith.constant 560 : i32
        %dma_start3A_317 = arith.constant 0 : i32
        %dma_start3A_318 = tpu.memref_slice %arg8[%dma_start3A_316, %dma_start3A_317] : memref<800x64xf32, #tpu.memory_space<vmem>> -> memref<80x64xf32, #tpu.memory_space<vmem>>
        %dma_start3A_319 = arith.constant 560 : i32
        %dma_start3A_320 = tpu.memref_slice %arg6[%dma_start3A_319] : memref<800xi32, #tpu.memory_space<vmem>> -> memref<80xi32, #tpu.memory_space<vmem>>
        %dma_start3A_321 = arith.constant 0 : i32
        %dma_start3A_322 = arith.constant 0 : i32
        %dma_start3A_323 = tpu.memref_slice %arg3[%dma_start3A_321, %dma_start3A_322] : memref<100000x64xf32, #tpu.memory_space<hbm>> -> memref<100000x64xf32, #tpu.memory_space<hbm>>
        tpu.enqueue_indirect_dma source(%dma_start3A_323 : memref<100000x64xf32, #tpu.memory_space<hbm>>) target(%dma_start3A_318 : memref<80x64xf32, #tpu.memory_space<vmem>>) offsets(%dma_start3A_320 : memref<80xi32, #tpu.memory_space<vmem>>) semaphore(%arg12 : memref<!tpu.dma_semaphore, #tpu.memory_space<semaphore_mem>>)
        %dma_start3A_324 = arith.constant 640 : i32
        %dma_start3A_325 = arith.constant 0 : i32
        %dma_start3A_326 = tpu.memref_slice %arg8[%dma_start3A_324, %dma_start3A_325] : memref<800x64xf32, #tpu.memory_space<vmem>> -> memref<80x64xf32, #tpu.memory_space<vmem>>
        %dma_start3A_327 = arith.constant 640 : i32
        %dma_start3A_328 = tpu.memref_slice %arg6[%dma_start3A_327] : memref<800xi32, #tpu.memory_space<vmem>> -> memref<80xi32, #tpu.memory_space<vmem>>
        %dma_start3A_329 = arith.constant 0 : i32
        %dma_start3A_330 = arith.constant 0 : i32
        %dma_start3A_331 = tpu.memref_slice %arg3[%dma_start3A_329, %dma_start3A_330] : memref<100000x64xf32, #tpu.memory_space<hbm>> -> memref<100000x64xf32, #tpu.memory_space<hbm>>
        tpu.enqueue_indirect_dma source(%dma_start3A_331 : memref<100000x64xf32, #tpu.memory_space<hbm>>) target(%dma_start3A_326 : memref<80x64xf32, #tpu.memory_space<vmem>>) offsets(%dma_start3A_328 : memref<80xi32, #tpu.memory_space<vmem>>) semaphore(%arg12 : memref<!tpu.dma_semaphore, #tpu.memory_space<semaphore_mem>>)
        %dma_start3A_332 = arith.constant 720 : i32
        %dma_start3A_333 = arith.constant 0 : i32
        %dma_start3A_334 = tpu.memref_slice %arg8[%dma_start3A_332, %dma_start3A_333] : memref<800x64xf32, #tpu.memory_space<vmem>> -> memref<80x64xf32, #tpu.memory_space<vmem>>
        %dma_start3A_335 = arith.constant 720 : i32
        %dma_start3A_336 = tpu.memref_slice %arg6[%dma_start3A_335] : memref<800xi32, #tpu.memory_space<vmem>> -> memref<80xi32, #tpu.memory_space<vmem>>
        %dma_start3A_337 = arith.constant 0 : i32
        %dma_start3A_338 = arith.constant 0 : i32
        %dma_start3A_339 = tpu.memref_slice %arg3[%dma_start3A_337, %dma_start3A_338] : memref<100000x64xf32, #tpu.memory_space<hbm>> -> memref<100000x64xf32, #tpu.memory_space<hbm>>
        tpu.enqueue_indirect_dma source(%dma_start3A_339 : memref<100000x64xf32, #tpu.memory_space<hbm>>) target(%dma_start3A_334 : memref<80x64xf32, #tpu.memory_space<vmem>>) offsets(%dma_start3A_336 : memref<80xi32, #tpu.memory_space<vmem>>) semaphore(%arg12 : memref<!tpu.dma_semaphore, #tpu.memory_space<semaphore_mem>>)
      } else {
      }
    }
    %scan3A_174 = arith.constant 16 : i32
    %dma_wait3A = arith.constant 0 : i32
    %dma_wait3A_175 = arith.constant 0 : i32
    %dma_wait3A_176 = tpu.memref_slice %arg4[%dma_wait3A, %dma_wait3A_175] : memref<16384x64xf32, #tpu.memory_space<hbm>> -> memref<16x64xf32, #tpu.memory_space<hbm>>
    %dma_wait3A_177 = arith.constant 0 : i32
    %dma_wait3A_178 = arith.constant 0 : i32
    %dma_wait3A_179 = tpu.memref_slice %arg4[%dma_wait3A_177, %dma_wait3A_178] : memref<16384x64xf32, #tpu.memory_space<hbm>> -> memref<16x64xf32, #tpu.memory_space<hbm>>
    tpu.wait_dma2 semaphore(%arg13 : memref<!tpu.dma_semaphore, #tpu.memory_space<semaphore_mem>>) src(%arg9 : memref<16x64xf32, #tpu.memory_space<vmem>>) dst(%dma_wait3A_179 : memref<16x64xf32, #tpu.memory_space<hbm>>)
    %dma_wait3A_180 = arith.constant 0 : i32
    %dma_wait3A_181 = arith.constant 0 : i32
    %dma_wait3A_182 = tpu.memref_slice %arg4[%dma_wait3A_180, %dma_wait3A_181] : memref<16384x64xf32, #tpu.memory_space<hbm>> -> memref<16x64xf32, #tpu.memory_space<hbm>>
    %dma_wait3A_183 = arith.constant 0 : i32
    %dma_wait3A_184 = arith.constant 0 : i32
    %dma_wait3A_185 = tpu.memref_slice %arg4[%dma_wait3A_183, %dma_wait3A_184] : memref<16384x64xf32, #tpu.memory_space<hbm>> -> memref<16x64xf32, #tpu.memory_space<hbm>>
    tpu.wait_dma2 semaphore(%arg14 : memref<!tpu.dma_semaphore, #tpu.memory_space<semaphore_mem>>) src(%arg10 : memref<16x64xf32, #tpu.memory_space<vmem>>) dst(%dma_wait3A_185 : memref<16x64xf32, #tpu.memory_space<hbm>>)
    return
  }
}

</mosaic_0001>

<sc_bundles>
// kernel: kernel.3.cloned.1.call-start
scs
__scs_entry_jumppad:
0x0: {  	(pc) =	sbr.rel $0x88, $3  }
0x1: {  	(tag) =	ssettag $0x0;
	lr =	simm.s32 $0x1  }
0x2: {  	[smem:$0x3F9F] =	sst lr;
	_ =	strace $0xD0000000  }
0x3: {  	_ = 	snop  }
0x4: {  	_ = 	snop  }
0x5: {  	_ = 	snop  }
0x6: {  	_ = 	snop  }
0x7: {  	_ = 	snop  }
__scs_overlays_trampoline_lowered:
0x8: {  	[smem:$0x3FAE] =	sst s0  }
0x9: {  	[smem:$0x3FAF] =	sst s1  }
0xa: {  	[smem:$0x3FB0] =	sst s2  }
0xb: {  	[smem:$0x3FB1] =	sst s3  }
0xc: {  	[smem:$0x3FB2] =	sst s4  }
0xd: {  	[smem:$0x3FB3] =	sst s5  }
0xe: {  	[smem:$0x3FB4] =	sst s6  }
0xf: {  	[smem:$0x3FB5] =	sst s7  }
0x10: {  	[smem:$0x3FB6] =	sst s8  }
0x11: {  	[smem:$0x3FB7] =	sst s9;
	s0 =	simm.s32 @!p0 $0x0  }
0x12: {  	s1 =	sld [smem:$0x3F9D];
	s0 =	simm.s32 @p0 $0x1  }
0x13: {  	[smem:$0x3FB8] =	sst s0;
	s0 =	simm.s32 @!p1 $0x0  }
0x14: {  	s2 =	sld [smem:$0x3F9C];
	s0 =	simm.s32 @p1 $0x1  }
0x15: {  	[smem:$0x3FB9] =	sst s0;
	s0 =	simm.s32 @!p2 $0x0  }
0x16: {  	s3 =	sld [smem:$0x3FDB];
	s0 =	simm.s32 @p2 $0x1  }
0x17: {  	s4 =	simm.s32 $0x1BF5;
	[smem:$0x3FBB] =	sst s0  }
0x18: {  	s0 =	sld [smem:$0x3F9E];
	_ =	swait.ge [sflag:s4], $0x0  }
0x19: {  	s7 =	sld [smem:$0x3F9F]  }
0x1a: {  	s8 =	sadd.s32 $0xFFFFE003, lr  }
0x1b: {  	s9 =	sadd.s32 $0xFFFFFEF7, lr;
	s5 =	simm.s32 $0xFFFFFFFF;
	p2 =	slt.u32 s8, $0xFFFFF086  }
0x1c: {  	p1 =	slt.u32 s9, $0xF7A;
	s5 =	simm.s32 @!p2 $0x0  }
0x1d: {  	s5 =	simm.s32 @p1 $0x1;
	p0 =	seq.s32 s7, s2  }
0x1e: {  	s7 =	smul.u32 @!p0 $0xF7A, s2;
	p2 =	seq.s32 @!p0 s5, $0x0  }
0x1f: {  	s9 =	smul.u32 $0xF7A, s1;
	s8 =	simm.s32 @!p0 $0x1BF5;
	p2 =	por !p2, p0  }
0x20: {  	[sflag:s8] =	ssyncset.s32 @!p0 $0xFFFFF086;
	s6 =	sadd.s32 @!p0 s3, s7;
	s7 =	simm.s32 @!p0 $0x108  }
0x21: {  	s3 =	sadd.s32 s3, s9;
	s6 =	sadd.s32 @!p0 $0x88, s6;
	s7 =	simm.s32 @p2 $0x1082  }
0x22: {  	[simem:s7], [sflag:s8] =	dma.local @!p0 [hbm:s6], $0xF7A  }
0x23: {  	s9 =	sor.u32 $0xD0000000, s2;
	s6 =	simm.s32 $0x108;
	_ =	swait.ge @!p0 [sflag:s8], $0x0  }
0x24: {  	s3 =	sadd.s32 $0x88, s3;
	s6 =	simm.s32 @!p1 $0x1082;
	[sflag:s4] =	ssyncset.s32 $0xFFFFF086  }
0x25: {  	[simem:s6], [sflag:s4] =	dma.local [hbm:s3], $0xF7A  }
0x26: {  	[smem:$0x3F9F] =	sst s1;
	(tag) =	ssettag s2;
	_ =	strace s9  }
0x27: {  	s1 =	sld [smem:$0x3FAF]  }
0x28: {  	s2 =	sld [smem:$0x3FB0]  }
0x29: {  	s4 =	sld [smem:$0x3FB2]  }
0x2a: {  	p0 =	seq.s32 s5, $0x0;
	s5 =	sld [smem:$0x3FB3]  }
0x2b: {  	s6 =	sld [smem:$0x3FB4]  }
0x2c: {  	s7 =	sld [smem:$0x3FB5]  }
0x2d: {  	s3 =	simm.s32 $0x108;
	s8 =	sld [smem:$0x3FB6]  }
0x2e: {  	s3 =	simm.s32 @!p0 $0x1082;
	s9 =	sld [smem:$0x3FB7]  }
0x2f: {  	lr =	sadd.s32 s0, s3;
	s0 =	sld [smem:$0x3FAE]  }
0x30: {  	s3 =	sld [smem:$0x3FB1]  }
0x31: {  	[smem:$0x3FBA] =	sst s10  }
0x32: {  	s10 =	sld [smem:$0x3FB8];
	_ =	sdelay $0x3  }
0x33: {  	p0 =	seq.s32 s10, $0x1;
	s10 =	sld [smem:$0x3FBA];
	_ =	sdelay $0x3  }
0x34: {  	[smem:$0x3FBA] =	sst s10  }
0x35: {  	s10 =	sld [smem:$0x3FB9];
	_ =	sdelay $0x3  }
0x36: {  	p1 =	seq.s32 s10, $0x1;
	s10 =	sld [smem:$0x3FBA];
	_ =	sdelay $0x3  }
0x37: {  	[smem:$0x3FBA] =	sst s10  }
0x38: {  	s10 =	sld [smem:$0x3FBB]  }
0x39: {  	_ = 	snop;
	(pc) =	sbr.ind lr, $3  }
0x3a: {  	_ = 	snop  }
0x3b: {  	_ = 	snop  }
0x3c: {  	p2 =	seq.s32 s10, $0x1;
	s10 =	sld [smem:$0x3FBA]  }
0x3d: {  	_ =	shalt  }
0x3e: {  	_ =	shalt  }
0x3f: {  	_ =	shalt  }
0x40: {  	_ =	shalt  }
0x41: {  	_ =	shalt  }
0x42: {  	_ =	shalt  }
0x43: {  	_ =	shalt  }
0x44: {  	_ =	shalt  }
0x45: {  	_ =	shalt  }
0x46: {  	_ =	shalt  }
0x47: {  	_ =	shalt  }
0x48: {  	_ =	shalt  }
0x49: {  	_ =	shalt  }
0x4a: {  	_ =	shalt  }
0x4b: {  	_ =	shalt  }
0x4c: {  	_ =	shalt  }
0x4d: {  	_ =	shalt  }
0x4e: {  	_ =	shalt  }
0x4f: {  	_ =	shalt  }
0x50: {  	_ =	shalt  }
0x51: {  	_ =	shalt  }
0x52: {  	_ =	shalt  }
0x53: {  	_ =	shalt  }
0x54: {  	_ =	shalt  }
0x55: {  	_ =	shalt  }
0x56: {  	_ =	shalt  }
0x57: {  	_ =	shalt  }
0x58: {  	_ =	shalt  }
0x59: {  	_ =	shalt  }
0x5a: {  	_ =	shalt  }
0x5b: {  	_ =	shalt  }
0x5c: {  	_ =	shalt  }
0x5d: {  	_ =	shalt  }
0x5e: {  	_ =	shalt  }
0x5f: {  	_ =	shalt  }
0x60: {  	_ =	shalt  }
0x61: {  	_ =	shalt  }
0x62: {  	_ =	shalt  }
0x63: {  	_ =	shalt  }
0x64: {  	_ =	shalt  }
0x65: {  	_ =	shalt  }
0x66: {  	_ =	shalt  }
0x67: {  	_ =	shalt  }
0x68: {  	_ =	shalt  }
0x69: {  	_ =	shalt  }
0x6a: {  	_ =	shalt  }
0x6b: {  	_ =	shalt  }
0x6c: {  	_ =	shalt  }
0x6d: {  	_ =	shalt  }
0x6e: {  	_ =	shalt  }
0x6f: {  	_ =	shalt  }
0x70: {  	_ =	shalt  }
0x71: {  	_ =	shalt  }
0x72: {  	_ =	shalt  }
0x73: {  	_ =	shalt  }
0x74: {  	_ =	shalt  }
0x75: {  	_ =	shalt  }
0x76: {  	_ =	shalt  }
0x77: {  	_ =	shalt  }
0x78: {  	_ =	shalt  }
0x79: {  	_ =	shalt  }
0x7a: {  	_ =	shalt  }
0x7b: {  	_ =	shalt  }
0x7c: {  	_ =	shalt  }
0x7d: {  	_ =	shalt  }
0x7e: {  	_ =	shalt  }
0x7f: {  	_ =	shalt  }
0x80: {  	_ =	shalt  }
0x81: {  	_ =	shalt  }
0x82: {  	_ =	shalt  }
0x83: {  	_ =	shalt  }
0x84: {  	_ =	shalt  }
0x85: {  	_ =	shalt  }
0x86: {  	_ =	shalt  }
0x87: {  	_ =	shalt  }
.Lfunc_end0:
.L_simem_size_0:
called_computation_lowered:
.L_overlay_start_0:
0x88: {  	s2 =	sld [smem:$0x3FD9]  }
0x89: {  	s3 =	sld [smem:$0x3FFE];
	_ =	sdelay $0x1  }
0x8a: {  	s1 =	srdreg.scid  }
0x8b: {  	s0 =	sand.u32 $0x1, s1  }
0x8c: {  	s17 =	sshll.u32 s0, $0xA;
	s2 =	sadd.s32 s3, s2  }
0x8d: {  	s2 =	sadd.s32 s2, s17  }
0x8e: {  	[smem:$0x3FC6] =	sst s2  }
0x8f: {  	_ = 	snop  }
0x90: {  	s2 =	sld [smem:$0x3FD0];
	(tm) =	ssettm $0x1  }
0x91: {  	s18 =	sld [smem:$0x3FFB];
	_ =	sdelay $0x3  }
0x92: {  	_ =	strace s18  }
0x93: {  	s3 =	sld [smem:$0x3FFC];
	_ =	sdelay $0x3  }
0x94: {  	_ =	strace s3  }
0x95: {  	s3 =	sld [smem:$0x3FFD];
	_ =	sdelay $0x3  }
0x96: {  	_ =	strace s3  }
0x97: {  	_ =	strace $0x8FFFFFFF  }
0x98: {  	s19 =	sld [smem:$0x3FDB];
	_ =	sdelay $0x1  }
0x99: {  	s4 =	simm.s32 $_scs_section_size  }
0x9a: {  	s5 =	simm.s32 $_size__tile_overlayer_lowered;
	s6 =	simm.s32 $_tile_overlayer_lowered  }
0x9b: {  	s22 =	simm.s32 $0x1BFF;
	s21 =	sshll.u32 s6, $0x1;
	s3 =	sadd.s32 s4, s19  }
0x9c: {  	s7 =	simm.s32 $0x0;
	s20 =	sshll.u32 s5, $0x1;
	s5 =	sadd.s32 s21, s3  }
0x9d: {  	[timem:s7], [sflag:s22] =	dma.local [hbm:s5], s20  }
0x9e: {  	_ =	swait.ge [sflag:s22], s20  }
0x9f: {  	s4 =	ssub.s32 $0x0, s20;
	[sflag:s22] =	ssyncset.done $0x0  }
0xa0: {  	[sflag:s22] =	ssyncadd.s32 s4;
	_ =	sdelay $0x1  }
0xa1: {  	s23 =	simm.s32 $0x1B8B  }
0xa2: {  	_ =	swait.ge [sflag:s23], $0x1  }
0xa3: {  	[sflag:s23] =	ssyncset.done $0x0  }
0xa4: {  	s25 =	simm.s32 $0x1B8E;
	s24 =	sld [smem:$0x3FFE];
	[sflag:s23] =	ssyncadd.s32 $0xFFFFFFFF  }
0xa5: {  	s26 =	simm.s32 $execute0_lowered;
	[smem:$0x3FD2] =	sst s25  }
0xa6: {  	s5 =	sshll.u32 s26, $0x1;
	_ =	strace $0x80000046;
	[dreg:$0x1] =	wrdreg $0xFFFFFFFF  }
0xa7: {  	s28 =	simm.s32 $_size_execute0_lowered;
	s3 =	sadd.s32 s3, s5;
	[dreg:$0x0] =	wrdreg $0x0  }
0xa8: {  	s5 =	sshll.u32 s28, $0x1;
	[dreg:$0x2] =	wrdreg s3  }
0xa9: {  	[dreg:$0x3] =	wrdreg s5  }
0xaa: {  	[dreg:$0x4] =	wrdreg $0xC0  }
0xab: {  	_ =	task [dreg:s7], $0x5FFFF  }
0xac: {  	[dreg:$0x1] =	wrdreg $0xFFFFFFFF  }
0xad: {  	[dreg:$0x0] =	wrdreg $0x60  }
0xae: {  	[dreg:$0x2] =	wrdreg s24  }
0xaf: {  	[dreg:$0x3] =	wrdreg s2  }
0xb0: {  	[dreg:$0x4] =	wrdreg $0x9  }
0xb1: {  	_ =	task.clear_ibuf [dreg:s7], $0x5FFFF;
	_ =	strace $0x90000046  }
0xb2: {  	s29 =	simm.s32 $0x9;
	_ =	strace $0x80000048  }
0xb3: {  	_ =	swait.ge [sflag:s29], $0x1  }
0xb4: {  	[sflag:s29] =	ssyncadd.s32 $0xFFFFFFFF  }
0xb5: {  	_ =	strace $0x90000048  }
0xb6: {  	_ =	sfence  }
0xb7: {  	s30 =	sld [smem:$0x0];
	_ =	sdelay $0x2  }
0xb8: {  	s31 =	sshll.u32 s1, $0xD;
	s1 =	sshrl.u32 s1, $0x2  }
0xb9: {  	s3 =	sand.u32 $0x4000, s31;
	s1 =	sadd.s32 s1, s30  }
0xba: {  	s0 =	sor.u32 s3, s0;
	s1 =	sshll.u32 s1, $0x11  }
0xbb: {  	s0 =	sor.u32 s1, s0  }
0xbc: {  	s0 =	sadd.s32 $0x8F2B, s0  }
0xbd: {  	[sflag:s0] =	ssyncadd.remote.s32 $0x1  }
0xbe: {  	_ =	sfence.sel $0xFFFF  }
0xbf: {  	[dreg:$0x0] =	wrdreg $0xFFFFFFFF;
	(pc) =	sbr.abs _section_cstart, $3  }
0xc0: {  	[dreg:$0x1] =	wrdreg $0xFFFFFFFF  }
0xc1: {  	_ =	task.clear_ibuf [dreg:s7], $0x2FFFF;
	_ =	strace $0x9FFFFFFF  }
0xc2: {  	(tm) =	ssettm $0x7FFFFFFF  }
0xc3: {  	_ =	shalt  }
tec
execute0_lowered:
.L_overlay_start_1:
0x0: {  	(tag) =	ssettag $0x1  }
0x1: {  	s0 =	rddreg [dreg:$0x0];
	s1 =	srdreg.scid  }
0x2: {  	s2 =	stileid.u32;
	s8 =	rddreg [dreg:$0x1]  }
0x3: {  	s3 =	simm.s32 $0x0;
	s13 =	simm.s32 $0x5;
	s14 =	simm.s32 $0x50  }
0x4: {  	s21 =	simm.s32 $0x11E40;
	s22 =	simm.s32 $0x4B0;
	s28 =	simm.s32 $0x15A40  }
0x5: {  	s29 =	simm.s32 $0x5A0;
	s30 =	simm.s32 $0x16E40;
	s31 =	simm.s32 $0x5F0  }
0x6: {  	s10 =	simm.s32 $0x2;
	s12 =	simm.s32 $0x4;
	s16 =	simm.s32 $0x0  }
0x7: {  	s1 =	sand.u32 $0x1, s1;
	s2 =	sshll.u32 s2, $0x1;
	[smem:$0x7FF] =	sst s3  }
0x8: {  	s4 =	sadd.s32 $0x600, s0;
	s2 =	sor.u32 s1, s2;
	s1 =	ssub.s32 $0x2, s1  }
0x9: {  	s5 =	sadd.s32 $0x187000, s0;
	_ =	strace $0x80000047;
	s7 =	sshrl.u32 s1, $0x1  }
0xa: {  	s6 =	smul.u32 $0xC80, s2;
	s25 =	sshll.u32 s2, $0xC;
	s23 =	ssub.s32 s1, s7  }
0xb: {  	s7 =	sshll.u32 s2, $0x9;
	s9 =	sadd.s32 s8, s25;
	s8 =	simm.s32 $0x320  }
0xc: {  	s25 =	simm.s32 $0x14640;
	s2 =	simm.s32 $0x19640;
	s24 =	sadd.s32 s4, s6  }
.Ltmp0:
0xd: {  	s26 =	sor.u32 $0x20, s7;
	s11 =	sor.u32 $0x30, s7;
	(pc) =	sbr.rel .LBB2_1-.Ltmp0, $4  }
0xe: {  	s0 =	smax.u32 s23, $0x1;
	s23 =	simm.s32 $0x13240;
	[dreg:$0x3] =	wrdreg s24  }
0xf: {  	s6 =	simm.s32 $0x19A40;
	s1 =	sadd.s32 $0x64, s24;
	[dreg:$0x5] =	wrdreg s26  }
0x10: {  	[dreg:$0x6] =	wrdreg s0;
	s24 =	simm.s32 $0x500;
	s26 =	simm.s32 $0x550  }
0x11: {  	s0 =	simm.s32 $0x1;
	[dreg:$0x4] =	wrdreg s1;
	s1 =	simm.s32 $0x18240  }
.LBB2_16:
0x12: {  	s15 =	simm.s32 $0x3  }
0x13: {  	_ =	swait.ge [sflag:s15], $0x400  }
0x14: {  	[sflag:s15] =	ssyncset.done $0x0  }
0x15: {  	[sflag:s15] =	ssyncadd.s32 $0xFFFFFC00  }
0x16: {  	_ =	swait.ge [sflag:s12], $0x400  }
0x17: {  	s16 =	rddreg [dreg:$0x7]  }
0x18: {  	s20 =	rddreg [dreg:$0x6];
	s16 =	sadd.s32 $0x1, s16  }
0x19: {  	p0 =	sne.s32 s16, s20  }
.Ltmp1:
0x1a: {  	_ = 	snop;
	(pc) =	sbr.rel @!p0 .LBB2_17-.Ltmp1, $3  }
0x1b: {  	_ =	sdelay $0x1  }
0x1c: {  	[sflag:s12] =	ssyncset.done $0x0  }
0x1d: {  	[sflag:s12] =	ssyncadd.s32 $0xFFFFFC00  }
.LBB2_1:
0x1e: {  	[dreg:$0x7] =	wrdreg s16  }
0x1f: {  	s15 =	rddreg [dreg:$0x3]  }
0x20: {  	[tilespmem:s3], [sflag:$0x5] =	stream.linear.gather [hbm4b:s15+s3], $0x320, $0x38;
	[tilespmem:$0x19E40] =	vst v63  }
0x21: {  	_ =	swait.ge [sflag:s13], $0x320  }
0x22: {  	[sflag:s13] =	ssyncset.done $0x0  }
0x23: {  	s20 =	simm.s32 $0x640;
	[sflag:s13] =	ssyncadd.s32 $0xFFFFFCE0  }
0x24: {  	[tilespmem:s20], [sflag:$0x1] =	stream.indirect.gather [hbm4b:s5+s14], $0x40, s3, s14, $0xb8;
	[tilespmem:$0x19E40] =	vst v63  }
0x25: {  	s16 =	simm.s32 $0x1A40  }
0x26: {  	[tilespmem:s16], [sflag:$0x1] =	stream.indirect.gather [hbm4b:s5+s14], $0x40, s14, s14, $0xb8;
	[tilespmem:$0x19E40] =	vst v63  }
0x27: {  	s17 =	simm.s32 $0xA0;
	s18 =	simm.s32 $0x2E40  }
0x28: {  	[tilespmem:s18], [sflag:$0x1] =	stream.indirect.gather [hbm4b:s5+s14], $0x40, s17, s14, $0xb8;
	[tilespmem:$0x19E40] =	vst v63  }
0x29: {  	s19 =	simm.s32 $0xF0;
	s20 =	simm.s32 $0x4240  }
0x2a: {  	[tilespmem:s20], [sflag:$0x1] =	stream.indirect.gather [hbm4b:s5+s14], $0x40, s19, s14, $0xb8;
	[tilespmem:$0x19E40] =	vst v63  }
0x2b: {  	s17 =	simm.s32 $0x140;
	s18 =	simm.s32 $0x5640  }
0x2c: {  	[tilespmem:s18], [sflag:$0x1] =	stream.indirect.gather [hbm4b:s5+s14], $0x40, s17, s14, $0xb8;
	[tilespmem:$0x19E40] =	vst v63  }
0x2d: {  	s19 =	simm.s32 $0x190;
	s20 =	simm.s32 $0x6A40  }
0x2e: {  	[tilespmem:s20], [sflag:$0x1] =	stream.indirect.gather [hbm4b:s5+s14], $0x40, s19, s14, $0xb8;
	[tilespmem:$0x19E40] =	vst v63  }
0x2f: {  	s17 =	simm.s32 $0x1E0;
	s18 =	simm.s32 $0x7E40  }
0x30: {  	[tilespmem:s18], [sflag:$0x1] =	stream.indirect.gather [hbm4b:s5+s14], $0x40, s17, s14, $0xb8;
	[tilespmem:$0x19E40] =	vst v63  }
0x31: {  	s19 =	simm.s32 $0x230;
	s20 =	simm.s32 $0x9240  }
0x32: {  	[tilespmem:s20], [sflag:$0x1] =	stream.indirect.gather [hbm4b:s5+s14], $0x40, s19, s14, $0xb8;
	[tilespmem:$0x19E40] =	vst v63  }
0x33: {  	s17 =	simm.s32 $0x280;
	s18 =	simm.s32 $0xA640  }
0x34: {  	[tilespmem:s18], [sflag:$0x1] =	stream.indirect.gather [hbm4b:s5+s14], $0x40, s17, s14, $0xb8;
	[tilespmem:$0x19E40] =	vst v63  }
0x35: {  	s19 =	simm.s32 $0x2D0;
	s20 =	simm.s32 $0xBA40  }
0x36: {  	[tilespmem:s20], [sflag:$0x1] =	stream.indirect.gather [hbm4b:s5+s14], $0x40, s19, s14, $0xb8;
	[tilespmem:$0x19E40] =	vst v63  }
0x37: {  	s17 =	rddreg [dreg:$0x4]  }
0x38: {  	[tilespmem:s8], [sflag:$0x5] =	stream.linear.gather [hbm4b:s17+s3], $0x320, $0x38;
	[tilespmem:$0x19E40] =	vst v63  }
0x39: {  	_ =	swait.ge [sflag:s13], $0x320  }
0x3a: {  	[sflag:s13] =	ssyncset.done $0x0  }
0x3b: {  	s18 =	simm.s32 $0xCE40;
	[sflag:s13] =	ssyncadd.s32 $0xFFFFFCE0  }
0x3c: {  	[tilespmem:s18], [sflag:$0x2] =	stream.indirect.gather [hbm4b:s5+s14], $0x40, s8, s14, $0xb8;
	[tilespmem:$0x19E40] =	vst v63  }
0x3d: {  	s19 =	simm.s32 $0x370;
	s20 =	simm.s32 $0xE240  }
0x3e: {  	[tilespmem:s20], [sflag:$0x2] =	stream.indirect.gather [hbm4b:s5+s14], $0x40, s19, s14, $0xb8;
	[tilespmem:$0x19E40] =	vst v63  }
0x3f: {  	s16 =	simm.s32 $0x3C0;
	s17 =	simm.s32 $0xF640  }
0x40: {  	[tilespmem:s17], [sflag:$0x2] =	stream.indirect.gather [hbm4b:s5+s14], $0x40, s16, s14, $0xb8;
	[tilespmem:$0x19E40] =	vst v63  }
0x41: {  	s18 =	simm.s32 $0x410;
	s19 =	simm.s32 $0x10A40  }
0x42: {  	[tilespmem:s19], [sflag:$0x2] =	stream.indirect.gather [hbm4b:s5+s14], $0x40, s18, s14, $0xb8;
	[tilespmem:$0x19E40] =	vst v63  }
0x43: {  	s20 =	simm.s32 $0x460  }
0x44: {  	[tilespmem:s21], [sflag:$0x2] =	stream.indirect.gather [hbm4b:s5+s14], $0x40, s20, s14, $0xb8;
	[tilespmem:$0x19E40] =	vst v63  }
0x45: {  	_ = 	snop  }
0x46: {  	[tilespmem:s23], [sflag:$0x2] =	stream.indirect.gather [hbm4b:s5+s14], $0x40, s22, s14, $0xb8;
	[tilespmem:$0x19E40] =	vst v63  }
0x47: {  	_ = 	snop  }
0x48: {  	[tilespmem:s25], [sflag:$0x2] =	stream.indirect.gather [hbm4b:s5+s14], $0x40, s24, s14, $0xb8;
	[tilespmem:$0x19E40] =	vst v63  }
0x49: {  	_ = 	snop  }
0x4a: {  	[tilespmem:s28], [sflag:$0x2] =	stream.indirect.gather [hbm4b:s5+s14], $0x40, s26, s14, $0xb8;
	[tilespmem:$0x19E40] =	vst v63  }
0x4b: {  	_ = 	snop  }
0x4c: {  	[tilespmem:s30], [sflag:$0x2] =	stream.indirect.gather [hbm4b:s5+s14], $0x40, s29, s14, $0xb8;
	[tilespmem:$0x19E40] =	vst v63  }
0x4d: {  	s15 =	simm.s32 $0x0  }
0x4e: {  	[tilespmem:s1], [sflag:$0x2] =	stream.indirect.gather [hbm4b:s5+s14], $0x40, s31, s14, $0xb8;
	[tilespmem:$0x19E40] =	vst v63  }
.LBB2_2:
0x4f: {  	_ =	swait.ge [sflag:s0], $0xC800  }
0x50: {  	p0 =	seq.s32 s15, $0x0;
	[sflag:s0] =	ssyncset.done $0x0  }
0x51: {  	s17 =	simm.s32 @!p0 $0x3;
	[sflag:s0] =	ssyncadd.s32 $0xFFFF3800  }
0x52: {  	_ =	swait.ge @!p0 [sflag:s17], $0x400  }
0x53: {  	s16 =	sshll.u32 s15, $0x5;
	[sflag:s17] =	ssyncset.done @!p0 $0x0  }
0x54: {  	s18 =	simm.s32 $0x780;
	[sflag:s17] =	ssyncadd.s32 @!p0 $0xFFFFFC00;
	s17 =	simm.s32 $0x0  }
.LBB2_3:
0x55: {  	v0 =	vld [tilespmem:s18+$0x100]  }
0x56: {  	v1 =	vld [tilespmem:s18+$0x110]  }
0x57: {  	v2 =	vld [tilespmem:s18+$0xC0]  }
0x58: {  	v3 =	vld [tilespmem:s18+$0xD0]  }
0x59: {  	v9 =	vld [tilespmem:s18+$0x80]  }
0x5a: {  	v12 =	vld [tilespmem:s18+$0x90]  }
0x5b: {  	v6 =	vld [tilespmem:s18+$0x40]  }
0x5c: {  	v8 =	vld [tilespmem:s18+$0x50]  }
0x5d: {  	v5 =	vld [tilespmem:s18+$0x0]  }
0x5e: {  	v7 =	vld [tilespmem:s18+$0x10]  }
0x5f: {  	v4 =	vld [tilespmem:s18+$0xFFFFFFC0]  }
0x60: {  	v10 =	vld [tilespmem:s18+$0xFFFFFFD0]  }
0x61: {  	v11 =	vld [tilespmem:s18+$0xFFFFFF80]  }
0x62: {  	v13 =	vld [tilespmem:s18+$0xFFFFFF90]  }
0x63: {  	v14 =	vld [tilespmem:s18+$0xFFFFFF40]  }
0x64: {  	v15 =	vld [tilespmem:s18+$0xFFFFFF50]  }
0x65: {  	v16 =	vld [tilespmem:s18+$0xFFFFFF00]  }
0x66: {  	v17 =	vld [tilespmem:s18+$0xFFFFFF10]  }
0x67: {  	v18 =	vld [tilespmem:s18+$0xFFFFFEC0]  }
0x68: {  	v19 =	vld [tilespmem:s18+$0xFFFFFED0]  }
0x69: {  	v20 =	vld [tilespmem:s18+$0xFFFFFEE0]  }
0x6a: {  	v21 =	vld [tilespmem:s18+$0xFFFFFEF0]  }
0x6b: {  	v22 =	vld [tilespmem:s18+$0xFFFFFF20]  }
0x6c: {  	v23 =	vld [tilespmem:s18+$0xFFFFFF30]  }
0x6d: {  	v24 =	vimm.f32 $0.0e+00;
	v25 =	vld [tilespmem:s18+$0xFFFFFF60]  }
0x6e: {  	v26 =	vld [tilespmem:s18+$0xFFFFFF70];
	v18 =	vadd.f32 v18, v24;
	v19 =	vadd.f32 v19, v24  }
0x6f: {  	v51 =	vld [tilespmem:s18+$0xFFFFFFA0];
	v20 =	vadd.f32 v20, v24;
	v21 =	vadd.f32 v21, v24  }
0x70: {  	v52 =	vld [tilespmem:s18+$0xFFFFFFB0];
	v16 =	vadd.f32 v16, v18;
	v17 =	vadd.f32 v17, v19  }
0x71: {  	v55 =	vld [tilespmem:s18+$0xFFFFFFE0];
	v53 =	vadd.f32 v22, v20;
	v54 =	vadd.f32 v23, v21  }
0x72: {  	v56 =	vld [tilespmem:s18+$0xFFFFFFF0];
	v14 =	vadd.f32 v14, v16;
	v15 =	vadd.f32 v15, v17  }
0x73: {  	v59 =	vld [tilespmem:s18+$0x20];
	v57 =	vadd.f32 v25, v53;
	v58 =	vadd.f32 v26, v54  }
0x74: {  	v11 =	vadd.f32 v11, v14;
	v13 =	vadd.f32 v13, v15;
	v14 =	vld [tilespmem:s18+$0x30]  }
0x75: {  	v61 =	vld [tilespmem:s18+$0x60];
	v15 =	vadd.f32 v51, v57;
	v60 =	vadd.f32 v52, v58  }
0x76: {  	v11 =	vadd.f32 v4, v11;
	v10 =	vadd.f32 v10, v13;
	v13 =	vld [tilespmem:s18+$0x70]  }
0x77: {  	v15 =	vadd.f32 v55, v15;
	v16 =	vadd.f32 v56, v60;
	v4 =	vld [tilespmem:s18+$0xA0]  }
0x78: {  	v11 =	vadd.f32 v5, v11;
	v10 =	vadd.f32 v7, v10;
	v7 =	vld [tilespmem:s18+$0xB0]  }
0x79: {  	v15 =	vadd.f32 v59, v15;
	v5 =	vld [tilespmem:s18+$0xE0];
	v14 =	vadd.f32 v14, v16  }
0x7a: {  	v62 =	vadd.f32 v6, v11;
	v63 =	vadd.f32 v8, v10;
	v8 =	vld [tilespmem:s18+$0xF0]  }
0x7b: {  	v11 =	vadd.f32 v61, v15;
	v6 =	vld [tilespmem:s18+$0x120];
	v10 =	vadd.f32 v13, v14  }
0x7c: {  	s19 =	simm.s32 $0x0;
	s20 =	sadd.s32 $0x280, s18;
	v13 =	vadd.f32 v9, v62;
	v12 =	vadd.f32 v12, v63;
	v9 =	vld [tilespmem:s18+$0x130]  }
.LBB2_4:
0x7d: {  	v14 =	vld [tilespmem:s20+$0x100];
	v4 =	vadd.f32 v4, v11;
	v7 =	vadd.f32 v7, v10  }
0x7e: {  	v10 =	vld [tilespmem:s20+$0x110];
	v11 =	vadd.f32 v2, v13;
	v12 =	vadd.f32 v3, v12  }
0x7f: {  	v2 =	vld [tilespmem:s20+$0xC0];
	v4 =	vadd.f32 v5, v4;
	v5 =	vadd.f32 v8, v7  }
0x80: {  	v3 =	vld [tilespmem:s20+$0xD0];
	v7 =	vadd.f32 v0, v11;
	v8 =	vadd.f32 v1, v12  }
0x81: {  	v12 =	vld [tilespmem:s20+$0x80];
	v4 =	vadd.f32 v6, v4;
	v5 =	vadd.f32 v9, v5  }
0x82: {  	v9 =	vld [tilespmem:s20+$0x90];
	v0 =	vmov v14  }
0x83: {  	v6 =	vld [tilespmem:s20+$0x40];
	v1 =	vmov v10  }
0x84: {  	v10 =	vld [tilespmem:s20+$0x50]  }
0x85: {  	v11 =	vld [tilespmem:s20+$0x0]  }
0x86: {  	v13 =	vld [tilespmem:s20+$0x10]  }
0x87: {  	v14 =	vld [tilespmem:s20+$0xFFFFFFC0]  }
0x88: {  	v15 =	vld [tilespmem:s20+$0xFFFFFFD0]  }
0x89: {  	v16 =	vld [tilespmem:s20+$0xFFFFFF80]  }
0x8a: {  	v17 =	vld [tilespmem:s20+$0xFFFFFF90]  }
0x8b: {  	v18 =	vld [tilespmem:s20+$0xFFFFFF40]  }
0x8c: {  	v19 =	vld [tilespmem:s20+$0xFFFFFF50]  }
0x8d: {  	v20 =	vld [tilespmem:s20+$0xFFFFFF00]  }
0x8e: {  	v21 =	vld [tilespmem:s20+$0xFFFFFF10]  }
0x8f: {  	v22 =	vld [tilespmem:s20+$0xFFFFFEC0]  }
0x90: {  	v23 =	vld [tilespmem:s20+$0xFFFFFED0]  }
0x91: {  	v24 =	vld [tilespmem:s20+$0xFFFFFEE0]  }
0x92: {  	s19 =	sadd.s32 $0xA, s19;
	v25 =	vld [tilespmem:s20+$0xFFFFFEF0]  }
0x93: {  	p1 =	slt.u32 s19, $0x28;
	v26 =	vld [tilespmem:s20+$0xFFFFFF20]  }
0x94: {  	v27 =	vld [tilespmem:s20+$0xFFFFFF30]  }
0x95: {  	v28 =	vld [tilespmem:s20+$0xFFFFFF60]  }
0x96: {  	v7 =	vadd.f32 v22, v7;
	v8 =	vadd.f32 v23, v8;
	v22 =	vld [tilespmem:s20+$0xFFFFFF70]  }
0x97: {  	v4 =	vadd.f32 v24, v4;
	v5 =	vadd.f32 v25, v5;
	v23 =	vld [tilespmem:s20+$0xFFFFFFA0]  }
0x98: {  	v7 =	vadd.f32 v20, v7;
	v8 =	vadd.f32 v21, v8;
	v20 =	vld [tilespmem:s20+$0xFFFFFFB0]  }
0x99: {  	v4 =	vadd.f32 v26, v4;
	v5 =	vadd.f32 v27, v5;
	v21 =	vld [tilespmem:s20+$0xFFFFFFE0]  }
0x9a: {  	v7 =	vadd.f32 v18, v7;
	v8 =	vadd.f32 v19, v8;
	v18 =	vld [tilespmem:s20+$0xFFFFFFF0]  }
0x9b: {  	v4 =	vadd.f32 v28, v4;
	v5 =	vadd.f32 v22, v5;
	v19 =	vld [tilespmem:s20+$0x20]  }
0x9c: {  	v7 =	vadd.f32 v16, v7;
	v8 =	vadd.f32 v17, v8;
	v16 =	vld [tilespmem:s20+$0x30]  }
0x9d: {  	v4 =	vadd.f32 v23, v4;
	v5 =	vadd.f32 v20, v5;
	v17 =	vld [tilespmem:s20+$0x60]  }
0x9e: {  	v7 =	vadd.f32 v14, v7;
	v8 =	vadd.f32 v15, v8;
	v14 =	vld [tilespmem:s20+$0x70]  }
0x9f: {  	v15 =	vadd.f32 v21, v4;
	v5 =	vadd.f32 v18, v5;
	v4 =	vld [tilespmem:s20+$0xA0]  }
.Ltmp2:
0xa0: {  	v11 =	vadd.f32 v11, v7;
	v8 =	vadd.f32 v13, v8;
	v7 =	vld [tilespmem:s20+$0xB0];
	(pc) =	sbr.rel @p1 .LBB2_4-.Ltmp2, $4  }
0xa1: {  	v13 =	vadd.f32 v19, v15;
	v15 =	vadd.f32 v16, v5;
	v5 =	vld [tilespmem:s20+$0xE0]  }
0xa2: {  	v16 =	vadd.f32 v6, v11;
	v18 =	vadd.f32 v10, v8;
	v8 =	vld [tilespmem:s20+$0xF0]  }
0xa3: {  	v11 =	vadd.f32 v17, v13;
	v10 =	vadd.f32 v14, v15;
	v6 =	vld [tilespmem:s20+$0x120]  }
0xa4: {  	v13 =	vadd.f32 v12, v16;
	v12 =	vadd.f32 v9, v18;
	v9 =	vld [tilespmem:s20+$0x130];
	s20 =	sadd.s32 $0x280, s20  }
0xa5: {  	_ = 	snop  }
0xa6: {  	v4 =	vadd.f32 v4, v11;
	v2 =	vadd.f32 v2, v13  }
0xa7: {  	v7 =	vadd.f32 v7, v10;
	s19 =	sshll.u32 s17, $0x6;
	s17 =	sadd.s32 $0x1, s17;
	v3 =	vadd.f32 v3, v12  }
0xa8: {  	p1 =	sne.s32 s17, $0x10;
	v4 =	vadd.f32 v5, v4;
	v0 =	vadd.f32 v0, v2  }
.Ltmp3:
0xa9: {  	s19 =	sand.u32 $0x3FFFFFC0, s19;
	v61 =	vadd.f32 v8, v7;
	v1 =	vadd.f32 v1, v3;
	(pc) =	sbr.rel @p1 .LBB2_3-.Ltmp3, $4  }
0xaa: {  	v62 =	vadd.f32 v6, v4;
	[tilespmem:s19+$0x19640] =	vst v0  }
0xab: {  	v63 =	vadd.f32 v9, v61;
	[tilespmem:s19+$0x19650] =	vst v1  }
0xac: {  	[tilespmem:s19+$0x19660] =	vst v62  }
0xad: {  	s18 =	sadd.s32 $0xC80, s18;
	[tilespmem:s19+$0x19670] =	vst v63  }
0xae: {  	p1 =	sne.s32 s15, $0xF  }
.Ltmp4:
0xaf: {  	_ = 	snop;
	(pc) =	sbr.rel @p1 .LBB2_8-.Ltmp4, $4  }
0xb0: {  	_ = 	snop  }
0xb1: {  	s17 =	sshll.u32 s15, $0x8  }
0xb2: {  	s17 =	sadd.s32 s17, s9  }
0xb3: {  	[hbm4b:s17+s3] =	stream.linear.scatter [tilespmem:s2], [sflag:$0x3], $0x400, $0x38;
	[tilespmem:$0x19E40] =	vst v63  }
.Ltmp5:
0xb4: {  	(pc) =	sbr.rel .LBB2_9-.Ltmp5, $4  }
0xb5: {  	_ = 	snop  }
0xb6: {  	_ =	swait.ge [sflag:s10], $0xC800  }
0xb7: {  	[sflag:s10] =	ssyncset.done $0x0  }
0xb8: {  	[sflag:s10] =	ssyncadd.s32 $0xFFFF3800  }
.LBB2_8:
0xb9: {  	s17 =	rddreg [dreg:$0x5]  }
0xba: {  	s17 =	sadd.s32 s16, s17  }
0xbb: {  	s17 =	smul.u32 $0x32, s17;
	_ =	sdelay $0x1  }
0xbc: {  	s17 =	sshrl.u32 s17, $0x3  }
0xbd: {  	s17 =	sadd.s32 s4, s17  }
0xbe: {  	[tilespmem:s3], [sflag:$0x5] =	stream.linear.gather [hbm4b:s17+s3], $0x320, $0x38;
	[tilespmem:$0x19E40] =	vst v63  }
0xbf: {  	_ =	swait.ge [sflag:s13], $0x320  }
0xc0: {  	[sflag:s13] =	ssyncset.done $0x0  }
0xc1: {  	s18 =	simm.s32 $0x640;
	[sflag:s13] =	ssyncadd.s32 $0xFFFFFCE0  }
0xc2: {  	[tilespmem:s18], [sflag:$0x1] =	stream.indirect.gather [hbm4b:s5+s14], $0x40, s3, s14, $0xb8;
	[tilespmem:$0x19E40] =	vst v63  }
0xc3: {  	s19 =	simm.s32 $0x1A40  }
0xc4: {  	[tilespmem:s19], [sflag:$0x1] =	stream.indirect.gather [hbm4b:s5+s14], $0x40, s14, s14, $0xb8;
	[tilespmem:$0x19E40] =	vst v63  }
0xc5: {  	s20 =	simm.s32 $0xA0;
	s18 =	simm.s32 $0x2E40  }
0xc6: {  	[tilespmem:s18], [sflag:$0x1] =	stream.indirect.gather [hbm4b:s5+s14], $0x40, s20, s14, $0xb8;
	[tilespmem:$0x19E40] =	vst v63  }
0xc7: {  	s19 =	simm.s32 $0xF0;
	s20 =	simm.s32 $0x4240  }
0xc8: {  	[tilespmem:s20], [sflag:$0x1] =	stream.indirect.gather [hbm4b:s5+s14], $0x40, s19, s14, $0xb8;
	[tilespmem:$0x19E40] =	vst v63  }
0xc9: {  	s19 =	simm.s32 $0x140;
	s20 =	simm.s32 $0x5640  }
0xca: {  	[tilespmem:s20], [sflag:$0x1] =	stream.indirect.gather [hbm4b:s5+s14], $0x40, s19, s14, $0xb8;
	[tilespmem:$0x19E40] =	vst v63  }
0xcb: {  	s19 =	simm.s32 $0x190;
	s20 =	simm.s32 $0x6A40  }
0xcc: {  	[tilespmem:s20], [sflag:$0x1] =	stream.indirect.gather [hbm4b:s5+s14], $0x40, s19, s14, $0xb8;
	[tilespmem:$0x19E40] =	vst v63  }
0xcd: {  	s19 =	simm.s32 $0x1E0;
	s20 =	simm.s32 $0x7E40  }
0xce: {  	[tilespmem:s20], [sflag:$0x1] =	stream.indirect.gather [hbm4b:s5+s14], $0x40, s19, s14, $0xb8;
	[tilespmem:$0x19E40] =	vst v63  }
0xcf: {  	s19 =	simm.s32 $0x230;
	s20 =	simm.s32 $0x9240  }
0xd0: {  	[tilespmem:s20], [sflag:$0x1] =	stream.indirect.gather [hbm4b:s5+s14], $0x40, s19, s14, $0xb8;
	[tilespmem:$0x19E40] =	vst v63  }
0xd1: {  	s19 =	simm.s32 $0x280;
	s20 =	simm.s32 $0xA640  }
0xd2: {  	[tilespmem:s20], [sflag:$0x1] =	stream.indirect.gather [hbm4b:s5+s14], $0x40, s19, s14, $0xb8;
	[tilespmem:$0x19E40] =	vst v63  }
.Ltmp6:
0xd3: {  	s19 =	simm.s32 $0x2D0;
	s20 =	simm.s32 $0xBA40;
	(pc) =	sbr.rel @p0 .LBB2_10-.Ltmp6, $4  }
0xd4: {  	[tilespmem:s20], [sflag:$0x1] =	stream.indirect.gather [hbm4b:s5+s14], $0x40, s19, s14, $0xb8;
	[tilespmem:$0x19E40] =	vst v63  }
0xd5: {  	_ =	swait.ge [sflag:s10], $0xC800  }
0xd6: {  	[sflag:s10] =	ssyncset.done $0x0  }
0xd7: {  	[sflag:s10] =	ssyncadd.s32 $0xFFFF3800  }
.LBB2_9:
0xd8: {  	_ =	swait.ge [sflag:s12], $0x400  }
0xd9: {  	[sflag:s12] =	ssyncset.done $0x0  }
0xda: {  	[sflag:s12] =	ssyncadd.s32 $0xFFFFFC00  }
.LBB2_10:
0xdb: {  	s17 =	simm.s32 $0x0;
	s18 =	simm.s32 $0xCF80  }
.LBB2_11:
0xdc: {  	v0 =	vld [tilespmem:s18+$0x100]  }
0xdd: {  	v1 =	vld [tilespmem:s18+$0x110]  }
0xde: {  	v2 =	vld [tilespmem:s18+$0xC0]  }
0xdf: {  	v3 =	vld [tilespmem:s18+$0xD0]  }
0xe0: {  	v9 =	vld [tilespmem:s18+$0x80]  }
0xe1: {  	v12 =	vld [tilespmem:s18+$0x90]  }
0xe2: {  	v6 =	vld [tilespmem:s18+$0x40]  }
0xe3: {  	v8 =	vld [tilespmem:s18+$0x50]  }
0xe4: {  	v5 =	vld [tilespmem:s18+$0x0]  }
0xe5: {  	v7 =	vld [tilespmem:s18+$0x10]  }
0xe6: {  	v4 =	vld [tilespmem:s18+$0xFFFFFFC0]  }
0xe7: {  	v10 =	vld [tilespmem:s18+$0xFFFFFFD0]  }
0xe8: {  	v11 =	vld [tilespmem:s18+$0xFFFFFF80]  }
0xe9: {  	v13 =	vld [tilespmem:s18+$0xFFFFFF90]  }
0xea: {  	v14 =	vld [tilespmem:s18+$0xFFFFFF40]  }
0xeb: {  	v15 =	vld [tilespmem:s18+$0xFFFFFF50]  }
0xec: {  	v16 =	vld [tilespmem:s18+$0xFFFFFF00]  }
0xed: {  	v17 =	vld [tilespmem:s18+$0xFFFFFF10]  }
0xee: {  	v18 =	vld [tilespmem:s18+$0xFFFFFEC0]  }
0xef: {  	v19 =	vld [tilespmem:s18+$0xFFFFFED0]  }
0xf0: {  	v20 =	vld [tilespmem:s18+$0xFFFFFEE0]  }
0xf1: {  	v21 =	vld [tilespmem:s18+$0xFFFFFEF0]  }
0xf2: {  	v22 =	vld [tilespmem:s18+$0xFFFFFF20]  }
0xf3: {  	v23 =	vld [tilespmem:s18+$0xFFFFFF30]  }
0xf4: {  	v24 =	vimm.f32 $0.0e+00;
	v25 =	vld [tilespmem:s18+$0xFFFFFF60]  }
0xf5: {  	v26 =	vld [tilespmem:s18+$0xFFFFFF70];
	v18 =	vadd.f32 v18, v24;
	v19 =	vadd.f32 v19, v24  }
0xf6: {  	v51 =	vld [tilespmem:s18+$0xFFFFFFA0];
	v20 =	vadd.f32 v20, v24;
	v21 =	vadd.f32 v21, v24  }
0xf7: {  	v52 =	vld [tilespmem:s18+$0xFFFFFFB0];
	v16 =	vadd.f32 v16, v18;
	v17 =	vadd.f32 v17, v19  }
0xf8: {  	v55 =	vld [tilespmem:s18+$0xFFFFFFE0];
	v53 =	vadd.f32 v22, v20;
	v54 =	vadd.f32 v23, v21  }
0xf9: {  	v56 =	vld [tilespmem:s18+$0xFFFFFFF0];
	v14 =	vadd.f32 v14, v16;
	v15 =	vadd.f32 v15, v17  }
0xfa: {  	v59 =	vld [tilespmem:s18+$0x20];
	v57 =	vadd.f32 v25, v53;
	v58 =	vadd.f32 v26, v54  }
0xfb: {  	v11 =	vadd.f32 v11, v14;
	v13 =	vadd.f32 v13, v15;
	v14 =	vld [tilespmem:s18+$0x30]  }
0xfc: {  	v61 =	vld [tilespmem:s18+$0x60];
	v15 =	vadd.f32 v51, v57;
	v60 =	vadd.f32 v52, v58  }
0xfd: {  	v11 =	vadd.f32 v4, v11;
	v10 =	vadd.f32 v10, v13;
	v13 =	vld [tilespmem:s18+$0x70]  }
0xfe: {  	v15 =	vadd.f32 v55, v15;
	v16 =	vadd.f32 v56, v60;
	v4 =	vld [tilespmem:s18+$0xA0]  }
0xff: {  	v11 =	vadd.f32 v5, v11;
	v10 =	vadd.f32 v7, v10;
	v7 =	vld [tilespmem:s18+$0xB0]  }
0x100: {  	v15 =	vadd.f32 v59, v15;
	v5 =	vld [tilespmem:s18+$0xE0];
	v14 =	vadd.f32 v14, v16  }
0x101: {  	v62 =	vadd.f32 v6, v11;
	v63 =	vadd.f32 v8, v10;
	v8 =	vld [tilespmem:s18+$0xF0]  }
0x102: {  	v11 =	vadd.f32 v61, v15;
	v6 =	vld [tilespmem:s18+$0x120];
	v10 =	vadd.f32 v13, v14  }
0x103: {  	s19 =	simm.s32 $0x0;
	s20 =	sadd.s32 $0x280, s18;
	v13 =	vadd.f32 v9, v62;
	v12 =	vadd.f32 v12, v63;
	v9 =	vld [tilespmem:s18+$0x130]  }
.LBB2_12:
0x104: {  	v14 =	vld [tilespmem:s20+$0x100];
	v4 =	vadd.f32 v4, v11;
	v7 =	vadd.f32 v7, v10  }
0x105: {  	v10 =	vld [tilespmem:s20+$0x110];
	v11 =	vadd.f32 v2, v13;
	v12 =	vadd.f32 v3, v12  }
0x106: {  	v2 =	vld [tilespmem:s20+$0xC0];
	v4 =	vadd.f32 v5, v4;
	v5 =	vadd.f32 v8, v7  }
0x107: {  	v3 =	vld [tilespmem:s20+$0xD0];
	v7 =	vadd.f32 v0, v11;
	v8 =	vadd.f32 v1, v12  }
0x108: {  	v12 =	vld [tilespmem:s20+$0x80];
	v4 =	vadd.f32 v6, v4;
	v5 =	vadd.f32 v9, v5  }
0x109: {  	v9 =	vld [tilespmem:s20+$0x90];
	v0 =	vmov v14  }
0x10a: {  	v6 =	vld [tilespmem:s20+$0x40];
	v1 =	vmov v10  }
0x10b: {  	v10 =	vld [tilespmem:s20+$0x50]  }
0x10c: {  	v11 =	vld [tilespmem:s20+$0x0]  }
0x10d: {  	v13 =	vld [tilespmem:s20+$0x10]  }
0x10e: {  	v14 =	vld [tilespmem:s20+$0xFFFFFFC0]  }
0x10f: {  	v15 =	vld [tilespmem:s20+$0xFFFFFFD0]  }
0x110: {  	v16 =	vld [tilespmem:s20+$0xFFFFFF80]  }
0x111: {  	v17 =	vld [tilespmem:s20+$0xFFFFFF90]  }
0x112: {  	v18 =	vld [tilespmem:s20+$0xFFFFFF40]  }
0x113: {  	v19 =	vld [tilespmem:s20+$0xFFFFFF50]  }
0x114: {  	v20 =	vld [tilespmem:s20+$0xFFFFFF00]  }
0x115: {  	v21 =	vld [tilespmem:s20+$0xFFFFFF10]  }
0x116: {  	v22 =	vld [tilespmem:s20+$0xFFFFFEC0]  }
0x117: {  	v23 =	vld [tilespmem:s20+$0xFFFFFED0]  }
0x118: {  	v24 =	vld [tilespmem:s20+$0xFFFFFEE0]  }
0x119: {  	s19 =	sadd.s32 $0xA, s19;
	v25 =	vld [tilespmem:s20+$0xFFFFFEF0]  }
0x11a: {  	p0 =	slt.u32 s19, $0x28;
	v26 =	vld [tilespmem:s20+$0xFFFFFF20]  }
0x11b: {  	v27 =	vld [tilespmem:s20+$0xFFFFFF30]  }
0x11c: {  	v28 =	vld [tilespmem:s20+$0xFFFFFF60]  }
0x11d: {  	v7 =	vadd.f32 v22, v7;
	v8 =	vadd.f32 v23, v8;
	v22 =	vld [tilespmem:s20+$0xFFFFFF70]  }
0x11e: {  	v4 =	vadd.f32 v24, v4;
	v5 =	vadd.f32 v25, v5;
	v23 =	vld [tilespmem:s20+$0xFFFFFFA0]  }
0x11f: {  	v7 =	vadd.f32 v20, v7;
	v8 =	vadd.f32 v21, v8;
	v20 =	vld [tilespmem:s20+$0xFFFFFFB0]  }
0x120: {  	v4 =	vadd.f32 v26, v4;
	v5 =	vadd.f32 v27, v5;
	v21 =	vld [tilespmem:s20+$0xFFFFFFE0]  }
0x121: {  	v7 =	vadd.f32 v18, v7;
	v8 =	vadd.f32 v19, v8;
	v18 =	vld [tilespmem:s20+$0xFFFFFFF0]  }
0x122: {  	v4 =	vadd.f32 v28, v4;
	v5 =	vadd.f32 v22, v5;
	v19 =	vld [tilespmem:s20+$0x20]  }
0x123: {  	v7 =	vadd.f32 v16, v7;
	v8 =	vadd.f32 v17, v8;
	v16 =	vld [tilespmem:s20+$0x30]  }
0x124: {  	v4 =	vadd.f32 v23, v4;
	v5 =	vadd.f32 v20, v5;
	v17 =	vld [tilespmem:s20+$0x60]  }
0x125: {  	v7 =	vadd.f32 v14, v7;
	v8 =	vadd.f32 v15, v8;
	v14 =	vld [tilespmem:s20+$0x70]  }
0x126: {  	v15 =	vadd.f32 v21, v4;
	v5 =	vadd.f32 v18, v5;
	v4 =	vld [tilespmem:s20+$0xA0]  }
.Ltmp7:
0x127: {  	v11 =	vadd.f32 v11, v7;
	v8 =	vadd.f32 v13, v8;
	v7 =	vld [tilespmem:s20+$0xB0];
	(pc) =	sbr.rel @p0 .LBB2_12-.Ltmp7, $4  }
0x128: {  	v13 =	vadd.f32 v19, v15;
	v15 =	vadd.f32 v16, v5;
	v5 =	vld [tilespmem:s20+$0xE0]  }
0x129: {  	v16 =	vadd.f32 v6, v11;
	v18 =	vadd.f32 v10, v8;
	v8 =	vld [tilespmem:s20+$0xF0]  }
0x12a: {  	v11 =	vadd.f32 v17, v13;
	v10 =	vadd.f32 v14, v15;
	v6 =	vld [tilespmem:s20+$0x120]  }
0x12b: {  	v13 =	vadd.f32 v12, v16;
	v12 =	vadd.f32 v9, v18;
	v9 =	vld [tilespmem:s20+$0x130];
	s20 =	sadd.s32 $0x280, s20  }
0x12c: {  	_ = 	snop  }
0x12d: {  	v4 =	vadd.f32 v4, v11;
	v2 =	vadd.f32 v2, v13  }
0x12e: {  	v7 =	vadd.f32 v7, v10;
	s19 =	sshll.u32 s17, $0x6;
	s17 =	sadd.s32 $0x1, s17;
	v3 =	vadd.f32 v3, v12  }
0x12f: {  	p0 =	sne.s32 s17, $0x10;
	v4 =	vadd.f32 v5, v4;
	v0 =	vadd.f32 v0, v2  }
.Ltmp8:
0x130: {  	s19 =	sand.u32 $0x3FFFFFC0, s19;
	v61 =	vadd.f32 v8, v7;
	v1 =	vadd.f32 v1, v3;
	(pc) =	sbr.rel @p0 .LBB2_11-.Ltmp8, $4  }
0x131: {  	v62 =	vadd.f32 v6, v4;
	[tilespmem:s19+$0x19A40] =	vst v0  }
0x132: {  	v63 =	vadd.f32 v9, v61;
	[tilespmem:s19+$0x19A50] =	vst v1  }
0x133: {  	[tilespmem:s19+$0x19A60] =	vst v62  }
0x134: {  	s18 =	sadd.s32 $0xC80, s18;
	[tilespmem:s19+$0x19A70] =	vst v63  }
0x135: {  	s17 =	sadd.s32 s16, s7;
	p0 =	seq.s32 s15, $0xF  }
.Ltmp9:
0x136: {  	s17 =	sshll.u32 s17, $0x3;
	(pc) =	sbr.rel @p0 .LBB2_16-.Ltmp9, $4  }
0x137: {  	s17 =	sadd.s32 $0x80, s17  }
0x138: {  	s18 =	rddreg [dreg:$0x1];
	s17 =	sand.u32 $0x1FFFFF80, s17  }
0x139: {  	s17 =	sadd.s32 s18, s17  }
0x13a: {  	[hbm4b:s17+s3] =	stream.linear.scatter [tilespmem:s6], [sflag:$0x4], $0x400, $0x38;
	[tilespmem:$0x19E40] =	vst v63  }
0x13b: {  	s16 =	sadd.s32 s16, s11  }
0x13c: {  	s16 =	smul.u32 $0x32, s16;
	_ =	sdelay $0x1  }
0x13d: {  	s16 =	sshrl.u32 s16, $0x3  }
0x13e: {  	s16 =	sadd.s32 s4, s16  }
0x13f: {  	[tilespmem:s8], [sflag:$0x5] =	stream.linear.gather [hbm4b:s16+s3], $0x320, $0x38;
	[tilespmem:$0x19E40] =	vst v63  }
0x140: {  	_ =	swait.ge [sflag:s13], $0x320  }
0x141: {  	[sflag:s13] =	ssyncset.done $0x0  }
0x142: {  	s17 =	simm.s32 $0xCE40;
	[sflag:s13] =	ssyncadd.s32 $0xFFFFFCE0  }
0x143: {  	[tilespmem:s17], [sflag:$0x2] =	stream.indirect.gather [hbm4b:s5+s14], $0x40, s8, s14, $0xb8;
	[tilespmem:$0x19E40] =	vst v63  }
0x144: {  	s18 =	simm.s32 $0x370;
	s17 =	simm.s32 $0xE240  }
0x145: {  	[tilespmem:s17], [sflag:$0x2] =	stream.indirect.gather [hbm4b:s5+s14], $0x40, s18, s14, $0xb8;
	[tilespmem:$0x19E40] =	vst v63  }
0x146: {  	s19 =	simm.s32 $0x3C0;
	s20 =	simm.s32 $0xF640  }
0x147: {  	[tilespmem:s20], [sflag:$0x2] =	stream.indirect.gather [hbm4b:s5+s14], $0x40, s19, s14, $0xb8;
	[tilespmem:$0x19E40] =	vst v63  }
0x148: {  	s18 =	simm.s32 $0x410;
	s19 =	simm.s32 $0x10A40  }
0x149: {  	[tilespmem:s19], [sflag:$0x2] =	stream.indirect.gather [hbm4b:s5+s14], $0x40, s18, s14, $0xb8;
	[tilespmem:$0x19E40] =	vst v63  }
0x14a: {  	s20 =	simm.s32 $0x460  }
0x14b: {  	[tilespmem:s21], [sflag:$0x2] =	stream.indirect.gather [hbm4b:s5+s14], $0x40, s20, s14, $0xb8;
	[tilespmem:$0x19E40] =	vst v63  }
0x14c: {  	_ = 	snop  }
0x14d: {  	[tilespmem:s23], [sflag:$0x2] =	stream.indirect.gather [hbm4b:s5+s14], $0x40, s22, s14, $0xb8;
	[tilespmem:$0x19E40] =	vst v63  }
0x14e: {  	_ = 	snop  }
0x14f: {  	[tilespmem:s25], [sflag:$0x2] =	stream.indirect.gather [hbm4b:s5+s14], $0x40, s24, s14, $0xb8;
	[tilespmem:$0x19E40] =	vst v63  }
0x150: {  	_ = 	snop  }
0x151: {  	[tilespmem:s28], [sflag:$0x2] =	stream.indirect.gather [hbm4b:s5+s14], $0x40, s26, s14, $0xb8;
	[tilespmem:$0x19E40] =	vst v63  }
.Ltmp10:
0x152: {  	_ = 	snop;
	(pc) =	sbr.rel .LBB2_2-.Ltmp10, $4  }
0x153: {  	_ = 	snop  }
0x154: {  	[tilespmem:s30], [sflag:$0x2] =	stream.indirect.gather [hbm4b:s5+s14], $0x40, s29, s14, $0xb8;
	[tilespmem:$0x19E40] =	vst v63  }
0x155: {  	s15 =	sadd.s32 $0x1, s15  }
0x156: {  	[tilespmem:s1], [sflag:$0x2] =	stream.indirect.gather [hbm4b:s5+s14], $0x40, s31, s14, $0xb8;
	[tilespmem:$0x19E40] =	vst v63  }
.LBB2_17:
0x157: {  	_ =	sfence.sel $0x180000  }
0x158: {  	[bflag:$0x0] =	sbarrier.arrive $0xFFFF  }
0x159: {  	_ =	strace $0x90000047  }
0x15a: {  	s0 =	stileid.u32;
	[bflag:$0x2] =	sbarrier.arrive $0xFFFF  }
0x15b: {  	p0 =	sne.s32 s0, $0x0;
	s0 =	rddreg [dreg:$0x2]  }
0x15c: {  	s0 =	sadd.s32 @!p0 $0x100000, s0  }
0x15d: {  	[sflag:s0] =	ssyncadd.tile.s32 @!p0 $0x1;
	_ =	shalt  }
.Lfunc_end2:
_tile_overlayer_lowered:
.L_overlay_start_2:
0x15e: {  	(tag) =	ssettag $0x2  }
0x15f: {  	s0 =	rddreg [dreg:$0x0];
	s2 =	stileid.u32  }
0x160: {  	s1 =	rddreg [dreg:$0x1];
	p0 =	sne.s32 s2, $0x0  }
0x161: {  	s3 =	rddreg [dreg:$0x2];
	[bflag:$0x3] =	sbarrier.arrive $0xFFFF;
	s2 =	simm.s32 @!p0 $0x1C05  }
0x162: {  	[timem:s3], [sflag:s2] =	dma.local @!p0 [hbm:s0], s1  }
0x163: {  	s0 =	simm.s32 @!p0 $0x5  }
0x164: {  	_ =	swait.ge @!p0 [sflag:s0], s1  }
0x165: {  	s1 =	ssub.s32 @!p0 $0x0, s1;
	[sflag:s0] =	ssyncset.done @!p0 $0x0  }
0x166: {  	[sflag:s0] =	ssyncadd.s32 @!p0 s1  }
0x167: {  	[bflag:$0x3] =	sbarrier.arrive $0xFFFF  }
0x168: {  	_ =	shalt  }

</sc_bundles>
